<compile_context>
chip_gen: v7x
topology: tpu7x:2x2x1
jax: 0.10.2.dev20260603
libtpu: 0.0.44.dev20260713+nightly
codegen_flags: <defaults>
</compile_context>

<pallas_src>
import functools

import jax
import jax.numpy as jnp
from jax import lax
from jax.experimental import pallas as pl
from jax.experimental.pallas import tpu as pltpu
from jax.experimental.pallas import tpu_sc as plsc

NC = 2
NS = 16
NW = NC * NS
NBUF = 4
GB = 4


def _emb_body(bpw, s, table_hbm, idx_hbm, out_hbm, idx_v, rows_v, gsem, osem):
    cid = lax.axis_index("c")
    sid = lax.axis_index("s")
    wid = sid * NC + cid
    base_b = wid * bpw
    niter = bpw // GB

    pltpu.sync_copy(idx_hbm.at[pl.ds(base_b, bpw)], idx_v)

    def issue(u, slot):
        for g in range(GB):
            pltpu.async_copy(
                table_hbm.at[idx_v.at[u * GB + g]], rows_v.at[slot, g], gsem)

    for i in range(NBUF - 1):
        issue(i, i)

    def body(t, carry):
        slot = lax.rem(t, NBUF)
        for g in range(GB):
            pltpu.make_async_copy(
                table_hbm.at[idx_v.at[0]], rows_v.at[slot, g], gsem).wait()

        @pl.when(t >= 1)
        def _():
            pltpu.make_async_copy(
                rows_v.at[slot],
                out_hbm.at[pl.ds(0, GB), pl.ds(0, s), pl.ds(0, 64)],
                osem).wait()

        @pl.when(t + NBUF - 1 < niter)
        def _():
            issue(t + NBUF - 1, lax.rem(t + NBUF - 1, NBUF))

        pltpu.async_copy(
            rows_v.at[slot],
            out_hbm.at[pl.ds(base_b + t * GB, GB), pl.ds(0, s), pl.ds(0, 64)],
            osem)
        return carry

    lax.fori_loop(0, niter, body, 0)
    pltpu.make_async_copy(
        rows_v.at[0],
        out_hbm.at[pl.ds(0, GB), pl.ds(0, s), pl.ds(0, 64)],
        osem).wait()


def kernel(x, table):
    b, s = x.shape
    v, d = table.shape
    assert b % (NW * GB) == 0
    bpw = b // NW

    grid_kernel = pl.kernel(
        functools.partial(_emb_body, bpw, s),
        mesh=plsc.VectorSubcoreMesh(core_axis_name="c", subcore_axis_name="s"),
        out_type=jax.ShapeDtypeStruct((b, 56, 128), jnp.float32),
        scratch_types=[
            pltpu.VMEM((bpw, s), jnp.int32),
            pltpu.VMEM((NBUF, GB, s, d), jnp.float32),
            pltpu.SemaphoreType.DMA,
            pltpu.SemaphoreType.DMA,
        ],
        compiler_params=pltpu.CompilerParams(use_tc_tiling_on_sc=False),
    )

    t2 = jnp.pad(table, ((0, 0), (0, 2 * 64 - d))).reshape(2 * v, d)
    out = grid_kernel(t2, 2 * x.astype(jnp.int32))
    return out[:, :s, :d]

# --- scband reference (transcript-rebuilt; emitter-appended) ---
"""Pipeline reference for scband-ingredient-embedding-1769526526353 (READ-ONLY COPY).

The authoritative reference and input builder live on the scoring server;
editing this copy changes nothing except your own understanding.
"""

import jax, jax.numpy as jnp
import numpy as np

VOCAB = 100000
EMBED_DIM = 64
BATCH = 4096
SEQ = 50

def setup_inputs(seed: int = 0) -> dict:
    key = jax.random.key(seed)
    k1, k2 = jax.random.split(key)
    x = jax.random.randint(k1, (BATCH, SEQ), 0, VOCAB, dtype=jnp.int64 if jax.config.jax_enable_x64 else jnp.int32)
    table = jax.random.normal(k2, (VOCAB, EMBED_DIM), dtype=jnp.float32)
    return {"x": x, "table": table}

def reference(x, table):
    # nn.Embedding forward: gather rows of the embedding table
    return jnp.take(table, x, axis=0)

if __name__ == "__main__":
    import jax
    _d = setup_inputs()
    print(jax.jit(kernel)(*tuple(_d.values())))

</pallas_src>

<mosaic_0001>
#map = affine_map<(d0, d1) -> (0, 0)>
#map1 = affine_map<(d0, d1) -> (0, 0, 0)>
module attributes {stable_mosaic.version = 14 : i64} {
  func.func @_emb_body(%arg0: i32, %arg1: i32, %arg2: memref<200000x64xf32, #tpu.memory_space<hbm>>, %arg3: memref<4096x50xi32, #tpu.memory_space<hbm>>, %arg4: memref<4096x56x128xf32, #tpu.memory_space<hbm>>, %arg5: memref<128x50xi32, #tpu.memory_space<vmem>>, %arg6: memref<4x4x50x64xf32, #tpu.memory_space<vmem>>, %arg7: memref<!tpu.dma_semaphore, #tpu.memory_space<semaphore_mem>>, %arg8: memref<!tpu.dma_semaphore, #tpu.memory_space<semaphore_mem>>) attributes {dimension_semantics = [#tpu.dimension_semantics<core_parallel>, #tpu.dimension_semantics<subcore_parallel>], iteration_bounds = array<i64: 2, 16>, scalar_prefetch = 0 : i64, scratch_operands = 4 : i64, tpu.core_type = #tpu.core_type<sc_vector_subcore>, window_params = [{transform_indices = #map}, {transform_indices = #map}, {transform_indices = #map1}]} {
    %mul3A = arith.constant 2 : i32
    %mul3A_0 = arith.muli %arg1, %mul3A : i32
    %add3A = arith.addi %mul3A_0, %arg0 : i32
    %mul3A_1 = arith.constant 128 : i32
    %mul3A_2 = arith.muli %add3A, %mul3A_1 : i32
    "tpu.region"() ({
      %run_scoped3A = tpu.sem_alloc : memref<!tpu.dma_semaphore, #tpu.memory_space<semaphore_mem>>
      %dma_start3A_181 = arith.constant 0 : i32
      %dma_start3A_182 = tpu.memref_slice %arg3[%mul3A_2, %dma_start3A_181] : memref<4096x50xi32, #tpu.memory_space<hbm>> -> memref<128x50xi32, #tpu.memory_space<hbm>>
      %dma_start3A_183 = arith.constant 0 : i32
      %dma_start3A_184 = tpu.memref_slice %arg3[%mul3A_2, %dma_start3A_183] : memref<4096x50xi32, #tpu.memory_space<hbm>> -> memref<128x50xi32, #tpu.memory_space<hbm>>
      tpu.enqueue_dma source(%dma_start3A_184 : memref<128x50xi32, #tpu.memory_space<hbm>>) target(%arg5 : memref<128x50xi32, #tpu.memory_space<vmem>>) target_semaphore(%run_scoped3A : memref<!tpu.dma_semaphore, #tpu.memory_space<semaphore_mem>>)
      %dma_wait3A_185 = arith.constant 0 : i32
      %dma_wait3A_186 = tpu.memref_slice %arg3[%mul3A_2, %dma_wait3A_185] : memref<4096x50xi32, #tpu.memory_space<hbm>> -> memref<128x50xi32, #tpu.memory_space<hbm>>
      %dma_wait3A_187 = arith.constant 0 : i32
      %dma_wait3A_188 = tpu.memref_slice %arg3[%mul3A_2, %dma_wait3A_187] : memref<4096x50xi32, #tpu.memory_space<hbm>> -> memref<128x50xi32, #tpu.memory_space<hbm>>
      tpu.wait_dma2 semaphore(%run_scoped3A : memref<!tpu.dma_semaphore, #tpu.memory_space<semaphore_mem>>) src(%dma_wait3A_188 : memref<128x50xi32, #tpu.memory_space<hbm>>) dst(%arg5 : memref<128x50xi32, #tpu.memory_space<vmem>>)
      tpu.yield
    }) : () -> ()
    %dma_start3A = arith.constant 0 : i32
    %dma_start3A_3 = arith.constant 0 : i32
    %dma_start3A_4 = arith.constant 0 : i32
    %dma_start3A_5 = arith.constant 0 : i32
    %dma_start3A_6 = arith.constant 0 : i32
    %dma_start3A_7 = tpu.memref_slice %arg6[%dma_start3A_3, %dma_start3A_4, %dma_start3A_5, %dma_start3A_6] : memref<4x4x50x64xf32, #tpu.memory_space<vmem>> -> memref<1x1x50x64xf32, #tpu.memory_space<vmem>>
    %dma_start3A_8 = tpu.memref_squeeze %dma_start3A_7 : memref<1x1x50x64xf32, #tpu.memory_space<vmem>> -> memref<50x64xf32, #tpu.memory_space<vmem>>
    %dma_start3A_9 = arith.constant 0 : i32
    %dma_start3A_10 = tpu.memref_slice %arg5[%dma_start3A, %dma_start3A_9] : memref<128x50xi32, #tpu.memory_space<vmem>> -> memref<1x50xi32, #tpu.memory_space<vmem>>
    %dma_start3A_11 = tpu.memref_squeeze %dma_start3A_10 : memref<1x50xi32, #tpu.memory_space<vmem>> -> memref<50xi32, #tpu.memory_space<vmem>>
    %dma_start3A_12 = arith.constant 0 : i32
    %dma_start3A_13 = arith.constant 0 : i32
    %dma_start3A_14 = tpu.memref_slice %arg2[%dma_start3A_12, %dma_start3A_13] : memref<200000x64xf32, #tpu.memory_space<hbm>> -> memref<200000x64xf32, #tpu.memory_space<hbm>>
    tpu.enqueue_indirect_dma source(%dma_start3A_14 : memref<200000x64xf32, #tpu.memory_space<hbm>>) target(%dma_start3A_8 : memref<50x64xf32, #tpu.memory_space<vmem>>) offsets(%dma_start3A_11 : memref<50xi32, #tpu.memory_space<vmem>>) semaphore(%arg7 : memref<!tpu.dma_semaphore, #tpu.memory_space<semaphore_mem>>)
    %dma_start3A_15 = arith.constant 1 : i32
    %dma_start3A_16 = arith.constant 0 : i32
    %dma_start3A_17 = arith.constant 1 : i32
    %dma_start3A_18 = arith.constant 0 : i32
    %dma_start3A_19 = arith.constant 0 : i32
    %dma_start3A_20 = tpu.memref_slice %arg6[%dma_start3A_16, %dma_start3A_17, %dma_start3A_18, %dma_start3A_19] : memref<4x4x50x64xf32, #tpu.memory_space<vmem>> -> memref<1x1x50x64xf32, #tpu.memory_space<vmem>>
    %dma_start3A_21 = tpu.memref_squeeze %dma_start3A_20 : memref<1x1x50x64xf32, #tpu.memory_space<vmem>> -> memref<50x64xf32, #tpu.memory_space<vmem>>
    %dma_start3A_22 = arith.constant 0 : i32
    %dma_start3A_23 = tpu.memref_slice %arg5[%dma_start3A_15, %dma_start3A_22] : memref<128x50xi32, #tpu.memory_space<vmem>> -> memref<1x50xi32, #tpu.memory_space<vmem>>
    %dma_start3A_24 = tpu.memref_squeeze %dma_start3A_23 : memref<1x50xi32, #tpu.memory_space<vmem>> -> memref<50xi32, #tpu.memory_space<vmem>>
    %dma_start3A_25 = arith.constant 0 : i32
    %dma_start3A_26 = arith.constant 0 : i32
    %dma_start3A_27 = tpu.memref_slice %arg2[%dma_start3A_25, %dma_start3A_26] : memref<200000x64xf32, #tpu.memory_space<hbm>> -> memref<200000x64xf32, #tpu.memory_space<hbm>>
    tpu.enqueue_indirect_dma source(%dma_start3A_27 : memref<200000x64xf32, #tpu.memory_space<hbm>>) target(%dma_start3A_21 : memref<50x64xf32, #tpu.memory_space<vmem>>) offsets(%dma_start3A_24 : memref<50xi32, #tpu.memory_space<vmem>>) semaphore(%arg7 : memref<!tpu.dma_semaphore, #tpu.memory_space<semaphore_mem>>)
    %dma_start3A_28 = arith.constant 2 : i32
    %dma_start3A_29 = arith.constant 0 : i32
    %dma_start3A_30 = arith.constant 2 : i32
    %dma_start3A_31 = arith.constant 0 : i32
    %dma_start3A_32 = arith.constant 0 : i32
    %dma_start3A_33 = tpu.memref_slice %arg6[%dma_start3A_29, %dma_start3A_30, %dma_start3A_31, %dma_start3A_32] : memref<4x4x50x64xf32, #tpu.memory_space<vmem>> -> memref<1x1x50x64xf32, #tpu.memory_space<vmem>>
    %dma_start3A_34 = tpu.memref_squeeze %dma_start3A_33 : memref<1x1x50x64xf32, #tpu.memory_space<vmem>> -> memref<50x64xf32, #tpu.memory_space<vmem>>
    %dma_start3A_35 = arith.constant 0 : i32
    %dma_start3A_36 = tpu.memref_slice %arg5[%dma_start3A_28, %dma_start3A_35] : memref<128x50xi32, #tpu.memory_space<vmem>> -> memref<1x50xi32, #tpu.memory_space<vmem>>
    %dma_start3A_37 = tpu.memref_squeeze %dma_start3A_36 : memref<1x50xi32, #tpu.memory_space<vmem>> -> memref<50xi32, #tpu.memory_space<vmem>>
    %dma_start3A_38 = arith.constant 0 : i32
    %dma_start3A_39 = arith.constant 0 : i32
    %dma_start3A_40 = tpu.memref_slice %arg2[%dma_start3A_38, %dma_start3A_39] : memref<200000x64xf32, #tpu.memory_space<hbm>> -> memref<200000x64xf32, #tpu.memory_space<hbm>>
    tpu.enqueue_indirect_dma source(%dma_start3A_40 : memref<200000x64xf32, #tpu.memory_space<hbm>>) target(%dma_start3A_34 : memref<50x64xf32, #tpu.memory_space<vmem>>) offsets(%dma_start3A_37 : memref<50xi32, #tpu.memory_space<vmem>>) semaphore(%arg7 : memref<!tpu.dma_semaphore, #tpu.memory_space<semaphore_mem>>)
    %dma_start3A_41 = arith.constant 3 : i32
    %dma_start3A_42 = arith.constant 0 : i32
    %dma_start3A_43 = arith.constant 3 : i32
    %dma_start3A_44 = arith.constant 0 : i32
    %dma_start3A_45 = arith.constant 0 : i32
    %dma_start3A_46 = tpu.memref_slice %arg6[%dma_start3A_42, %dma_start3A_43, %dma_start3A_44, %dma_start3A_45] : memref<4x4x50x64xf32, #tpu.memory_space<vmem>> -> memref<1x1x50x64xf32, #tpu.memory_space<vmem>>
    %dma_start3A_47 = tpu.memref_squeeze %dma_start3A_46 : memref<1x1x50x64xf32, #tpu.memory_space<vmem>> -> memref<50x64xf32, #tpu.memory_space<vmem>>
    %dma_start3A_48 = arith.constant 0 : i32
    %dma_start3A_49 = tpu.memref_slice %arg5[%dma_start3A_41, %dma_start3A_48] : memref<128x50xi32, #tpu.memory_space<vmem>> -> memref<1x50xi32, #tpu.memory_space<vmem>>
    %dma_start3A_50 = tpu.memref_squeeze %dma_start3A_49 : memref<1x50xi32, #tpu.memory_space<vmem>> -> memref<50xi32, #tpu.memory_space<vmem>>
    %dma_start3A_51 = arith.constant 0 : i32
    %dma_start3A_52 = arith.constant 0 : i32
    %dma_start3A_53 = tpu.memref_slice %arg2[%dma_start3A_51, %dma_start3A_52] : memref<200000x64xf32, #tpu.memory_space<hbm>> -> memref<200000x64xf32, #tpu.memory_space<hbm>>
    tpu.enqueue_indirect_dma source(%dma_start3A_53 : memref<200000x64xf32, #tpu.memory_space<hbm>>) target(%dma_start3A_47 : memref<50x64xf32, #tpu.memory_space<vmem>>) offsets(%dma_start3A_50 : memref<50xi32, #tpu.memory_space<vmem>>) semaphore(%arg7 : memref<!tpu.dma_semaphore, #tpu.memory_space<semaphore_mem>>)
    %dma_start3A_54 = arith.constant 4 : i32
    %dma_start3A_55 = arith.constant 1 : i32
    %dma_start3A_56 = arith.constant 0 : i32
    %dma_start3A_57 = arith.constant 0 : i32
    %dma_start3A_58 = arith.constant 0 : i32
    %dma_start3A_59 = tpu.memref_slice %arg6[%dma_start3A_55, %dma_start3A_56, %dma_start3A_57, %dma_start3A_58] : memref<4x4x50x64xf32, #tpu.memory_space<vmem>> -> memref<1x1x50x64xf32, #tpu.memory_space<vmem>>
    %dma_start3A_60 = tpu.memref_squeeze %dma_start3A_59 : memref<1x1x50x64xf32, #tpu.memory_space<vmem>> -> memref<50x64xf32, #tpu.memory_space<vmem>>
    %dma_start3A_61 = arith.constant 0 : i32
    %dma_start3A_62 = tpu.memref_slice %arg5[%dma_start3A_54, %dma_start3A_61] : memref<128x50xi32, #tpu.memory_space<vmem>> -> memref<1x50xi32, #tpu.memory_space<vmem>>
    %dma_start3A_63 = tpu.memref_squeeze %dma_start3A_62 : memref<1x50xi32, #tpu.memory_space<vmem>> -> memref<50xi32, #tpu.memory_space<vmem>>
    %dma_start3A_64 = arith.constant 0 : i32
    %dma_start3A_65 = arith.constant 0 : i32
    %dma_start3A_66 = tpu.memref_slice %arg2[%dma_start3A_64, %dma_start3A_65] : memref<200000x64xf32, #tpu.memory_space<hbm>> -> memref<200000x64xf32, #tpu.memory_space<hbm>>
    tpu.enqueue_indirect_dma source(%dma_start3A_66 : memref<200000x64xf32, #tpu.memory_space<hbm>>) target(%dma_start3A_60 : memref<50x64xf32, #tpu.memory_space<vmem>>) offsets(%dma_start3A_63 : memref<50xi32, #tpu.memory_space<vmem>>) semaphore(%arg7 : memref<!tpu.dma_semaphore, #tpu.memory_space<semaphore_mem>>)
    %dma_start3A_67 = arith.constant 5 : i32
    %dma_start3A_68 = arith.constant 1 : i32
    %dma_start3A_69 = arith.constant 1 : i32
    %dma_start3A_70 = arith.constant 0 : i32
    %dma_start3A_71 = arith.constant 0 : i32
    %dma_start3A_72 = tpu.memref_slice %arg6[%dma_start3A_68, %dma_start3A_69, %dma_start3A_70, %dma_start3A_71] : memref<4x4x50x64xf32, #tpu.memory_space<vmem>> -> memref<1x1x50x64xf32, #tpu.memory_space<vmem>>
    %dma_start3A_73 = tpu.memref_squeeze %dma_start3A_72 : memref<1x1x50x64xf32, #tpu.memory_space<vmem>> -> memref<50x64xf32, #tpu.memory_space<vmem>>
    %dma_start3A_74 = arith.constant 0 : i32
    %dma_start3A_75 = tpu.memref_slice %arg5[%dma_start3A_67, %dma_start3A_74] : memref<128x50xi32, #tpu.memory_space<vmem>> -> memref<1x50xi32, #tpu.memory_space<vmem>>
    %dma_start3A_76 = tpu.memref_squeeze %dma_start3A_75 : memref<1x50xi32, #tpu.memory_space<vmem>> -> memref<50xi32, #tpu.memory_space<vmem>>
    %dma_start3A_77 = arith.constant 0 : i32
    %dma_start3A_78 = arith.constant 0 : i32
    %dma_start3A_79 = tpu.memref_slice %arg2[%dma_start3A_77, %dma_start3A_78] : memref<200000x64xf32, #tpu.memory_space<hbm>> -> memref<200000x64xf32, #tpu.memory_space<hbm>>
    tpu.enqueue_indirect_dma source(%dma_start3A_79 : memref<200000x64xf32, #tpu.memory_space<hbm>>) target(%dma_start3A_73 : memref<50x64xf32, #tpu.memory_space<vmem>>) offsets(%dma_start3A_76 : memref<50xi32, #tpu.memory_space<vmem>>) semaphore(%arg7 : memref<!tpu.dma_semaphore, #tpu.memory_space<semaphore_mem>>)
    %dma_start3A_80 = arith.constant 6 : i32
    %dma_start3A_81 = arith.constant 1 : i32
    %dma_start3A_82 = arith.constant 2 : i32
    %dma_start3A_83 = arith.constant 0 : i32
    %dma_start3A_84 = arith.constant 0 : i32
    %dma_start3A_85 = tpu.memref_slice %arg6[%dma_start3A_81, %dma_start3A_82, %dma_start3A_83, %dma_start3A_84] : memref<4x4x50x64xf32, #tpu.memory_space<vmem>> -> memref<1x1x50x64xf32, #tpu.memory_space<vmem>>
    %dma_start3A_86 = tpu.memref_squeeze %dma_start3A_85 : memref<1x1x50x64xf32, #tpu.memory_space<vmem>> -> memref<50x64xf32, #tpu.memory_space<vmem>>
    %dma_start3A_87 = arith.constant 0 : i32
    %dma_start3A_88 = tpu.memref_slice %arg5[%dma_start3A_80, %dma_start3A_87] : memref<128x50xi32, #tpu.memory_space<vmem>> -> memref<1x50xi32, #tpu.memory_space<vmem>>
    %dma_start3A_89 = tpu.memref_squeeze %dma_start3A_88 : memref<1x50xi32, #tpu.memory_space<vmem>> -> memref<50xi32, #tpu.memory_space<vmem>>
    %dma_start3A_90 = arith.constant 0 : i32
    %dma_start3A_91 = arith.constant 0 : i32
    %dma_start3A_92 = tpu.memref_slice %arg2[%dma_start3A_90, %dma_start3A_91] : memref<200000x64xf32, #tpu.memory_space<hbm>> -> memref<200000x64xf32, #tpu.memory_space<hbm>>
    tpu.enqueue_indirect_dma source(%dma_start3A_92 : memref<200000x64xf32, #tpu.memory_space<hbm>>) target(%dma_start3A_86 : memref<50x64xf32, #tpu.memory_space<vmem>>) offsets(%dma_start3A_89 : memref<50xi32, #tpu.memory_space<vmem>>) semaphore(%arg7 : memref<!tpu.dma_semaphore, #tpu.memory_space<semaphore_mem>>)
    %dma_start3A_93 = arith.constant 7 : i32
    %dma_start3A_94 = arith.constant 1 : i32
    %dma_start3A_95 = arith.constant 3 : i32
    %dma_start3A_96 = arith.constant 0 : i32
    %dma_start3A_97 = arith.constant 0 : i32
    %dma_start3A_98 = tpu.memref_slice %arg6[%dma_start3A_94, %dma_start3A_95, %dma_start3A_96, %dma_start3A_97] : memref<4x4x50x64xf32, #tpu.memory_space<vmem>> -> memref<1x1x50x64xf32, #tpu.memory_space<vmem>>
    %dma_start3A_99 = tpu.memref_squeeze %dma_start3A_98 : memref<1x1x50x64xf32, #tpu.memory_space<vmem>> -> memref<50x64xf32, #tpu.memory_space<vmem>>
    %dma_start3A_100 = arith.constant 0 : i32
    %dma_start3A_101 = tpu.memref_slice %arg5[%dma_start3A_93, %dma_start3A_100] : memref<128x50xi32, #tpu.memory_space<vmem>> -> memref<1x50xi32, #tpu.memory_space<vmem>>
    %dma_start3A_102 = tpu.memref_squeeze %dma_start3A_101 : memref<1x50xi32, #tpu.memory_space<vmem>> -> memref<50xi32, #tpu.memory_space<vmem>>
    %dma_start3A_103 = arith.constant 0 : i32
    %dma_start3A_104 = arith.constant 0 : i32
    %dma_start3A_105 = tpu.memref_slice %arg2[%dma_start3A_103, %dma_start3A_104] : memref<200000x64xf32, #tpu.memory_space<hbm>> -> memref<200000x64xf32, #tpu.memory_space<hbm>>
    tpu.enqueue_indirect_dma source(%dma_start3A_105 : memref<200000x64xf32, #tpu.memory_space<hbm>>) target(%dma_start3A_99 : memref<50x64xf32, #tpu.memory_space<vmem>>) offsets(%dma_start3A_102 : memref<50xi32, #tpu.memory_space<vmem>>) semaphore(%arg7 : memref<!tpu.dma_semaphore, #tpu.memory_space<semaphore_mem>>)
    %dma_start3A_106 = arith.constant 8 : i32
    %dma_start3A_107 = arith.constant 2 : i32
    %dma_start3A_108 = arith.constant 0 : i32
    %dma_start3A_109 = arith.constant 0 : i32
    %dma_start3A_110 = arith.constant 0 : i32
    %dma_start3A_111 = tpu.memref_slice %arg6[%dma_start3A_107, %dma_start3A_108, %dma_start3A_109, %dma_start3A_110] : memref<4x4x50x64xf32, #tpu.memory_space<vmem>> -> memref<1x1x50x64xf32, #tpu.memory_space<vmem>>
    %dma_start3A_112 = tpu.memref_squeeze %dma_start3A_111 : memref<1x1x50x64xf32, #tpu.memory_space<vmem>> -> memref<50x64xf32, #tpu.memory_space<vmem>>
    %dma_start3A_113 = arith.constant 0 : i32
    %dma_start3A_114 = tpu.memref_slice %arg5[%dma_start3A_106, %dma_start3A_113] : memref<128x50xi32, #tpu.memory_space<vmem>> -> memref<1x50xi32, #tpu.memory_space<vmem>>
    %dma_start3A_115 = tpu.memref_squeeze %dma_start3A_114 : memref<1x50xi32, #tpu.memory_space<vmem>> -> memref<50xi32, #tpu.memory_space<vmem>>
    %dma_start3A_116 = arith.constant 0 : i32
    %dma_start3A_117 = arith.constant 0 : i32
    %dma_start3A_118 = tpu.memref_slice %arg2[%dma_start3A_116, %dma_start3A_117] : memref<200000x64xf32, #tpu.memory_space<hbm>> -> memref<200000x64xf32, #tpu.memory_space<hbm>>
    tpu.enqueue_indirect_dma source(%dma_start3A_118 : memref<200000x64xf32, #tpu.memory_space<hbm>>) target(%dma_start3A_112 : memref<50x64xf32, #tpu.memory_space<vmem>>) offsets(%dma_start3A_115 : memref<50xi32, #tpu.memory_space<vmem>>) semaphore(%arg7 : memref<!tpu.dma_semaphore, #tpu.memory_space<semaphore_mem>>)
    %dma_start3A_119 = arith.constant 9 : i32
    %dma_start3A_120 = arith.constant 2 : i32
    %dma_start3A_121 = arith.constant 1 : i32
    %dma_start3A_122 = arith.constant 0 : i32
    %dma_start3A_123 = arith.constant 0 : i32
    %dma_start3A_124 = tpu.memref_slice %arg6[%dma_start3A_120, %dma_start3A_121, %dma_start3A_122, %dma_start3A_123] : memref<4x4x50x64xf32, #tpu.memory_space<vmem>> -> memref<1x1x50x64xf32, #tpu.memory_space<vmem>>
    %dma_start3A_125 = tpu.memref_squeeze %dma_start3A_124 : memref<1x1x50x64xf32, #tpu.memory_space<vmem>> -> memref<50x64xf32, #tpu.memory_space<vmem>>
    %dma_start3A_126 = arith.constant 0 : i32
    %dma_start3A_127 = tpu.memref_slice %arg5[%dma_start3A_119, %dma_start3A_126] : memref<128x50xi32, #tpu.memory_space<vmem>> -> memref<1x50xi32, #tpu.memory_space<vmem>>
    %dma_start3A_128 = tpu.memref_squeeze %dma_start3A_127 : memref<1x50xi32, #tpu.memory_space<vmem>> -> memref<50xi32, #tpu.memory_space<vmem>>
    %dma_start3A_129 = arith.constant 0 : i32
    %dma_start3A_130 = arith.constant 0 : i32
    %dma_start3A_131 = tpu.memref_slice %arg2[%dma_start3A_129, %dma_start3A_130] : memref<200000x64xf32, #tpu.memory_space<hbm>> -> memref<200000x64xf32, #tpu.memory_space<hbm>>
    tpu.enqueue_indirect_dma source(%dma_start3A_131 : memref<200000x64xf32, #tpu.memory_space<hbm>>) target(%dma_start3A_125 : memref<50x64xf32, #tpu.memory_space<vmem>>) offsets(%dma_start3A_128 : memref<50xi32, #tpu.memory_space<vmem>>) semaphore(%arg7 : memref<!tpu.dma_semaphore, #tpu.memory_space<semaphore_mem>>)
    %dma_start3A_132 = arith.constant 10 : i32
    %dma_start3A_133 = arith.constant 2 : i32
    %dma_start3A_134 = arith.constant 2 : i32
    %dma_start3A_135 = arith.constant 0 : i32
    %dma_start3A_136 = arith.constant 0 : i32
    %dma_start3A_137 = tpu.memref_slice %arg6[%dma_start3A_133, %dma_start3A_134, %dma_start3A_135, %dma_start3A_136] : memref<4x4x50x64xf32, #tpu.memory_space<vmem>> -> memref<1x1x50x64xf32, #tpu.memory_space<vmem>>
    %dma_start3A_138 = tpu.memref_squeeze %dma_start3A_137 : memref<1x1x50x64xf32, #tpu.memory_space<vmem>> -> memref<50x64xf32, #tpu.memory_space<vmem>>
    %dma_start3A_139 = arith.constant 0 : i32
    %dma_start3A_140 = tpu.memref_slice %arg5[%dma_start3A_132, %dma_start3A_139] : memref<128x50xi32, #tpu.memory_space<vmem>> -> memref<1x50xi32, #tpu.memory_space<vmem>>
    %dma_start3A_141 = tpu.memref_squeeze %dma_start3A_140 : memref<1x50xi32, #tpu.memory_space<vmem>> -> memref<50xi32, #tpu.memory_space<vmem>>
    %dma_start3A_142 = arith.constant 0 : i32
    %dma_start3A_143 = arith.constant 0 : i32
    %dma_start3A_144 = tpu.memref_slice %arg2[%dma_start3A_142, %dma_start3A_143] : memref<200000x64xf32, #tpu.memory_space<hbm>> -> memref<200000x64xf32, #tpu.memory_space<hbm>>
    tpu.enqueue_indirect_dma source(%dma_start3A_144 : memref<200000x64xf32, #tpu.memory_space<hbm>>) target(%dma_start3A_138 : memref<50x64xf32, #tpu.memory_space<vmem>>) offsets(%dma_start3A_141 : memref<50xi32, #tpu.memory_space<vmem>>) semaphore(%arg7 : memref<!tpu.dma_semaphore, #tpu.memory_space<semaphore_mem>>)
    %dma_start3A_145 = arith.constant 11 : i32
    %dma_start3A_146 = arith.constant 2 : i32
    %dma_start3A_147 = arith.constant 3 : i32
    %dma_start3A_148 = arith.constant 0 : i32
    %dma_start3A_149 = arith.constant 0 : i32
    %dma_start3A_150 = tpu.memref_slice %arg6[%dma_start3A_146, %dma_start3A_147, %dma_start3A_148, %dma_start3A_149] : memref<4x4x50x64xf32, #tpu.memory_space<vmem>> -> memref<1x1x50x64xf32, #tpu.memory_space<vmem>>
    %dma_start3A_151 = tpu.memref_squeeze %dma_start3A_150 : memref<1x1x50x64xf32, #tpu.memory_space<vmem>> -> memref<50x64xf32, #tpu.memory_space<vmem>>
    %dma_start3A_152 = arith.constant 0 : i32
    %dma_start3A_153 = tpu.memref_slice %arg5[%dma_start3A_145, %dma_start3A_152] : memref<128x50xi32, #tpu.memory_space<vmem>> -> memref<1x50xi32, #tpu.memory_space<vmem>>
    %dma_start3A_154 = tpu.memref_squeeze %dma_start3A_153 : memref<1x50xi32, #tpu.memory_space<vmem>> -> memref<50xi32, #tpu.memory_space<vmem>>
    %dma_start3A_155 = arith.constant 0 : i32
    %dma_start3A_156 = arith.constant 0 : i32
    %dma_start3A_157 = tpu.memref_slice %arg2[%dma_start3A_155, %dma_start3A_156] : memref<200000x64xf32, #tpu.memory_space<hbm>> -> memref<200000x64xf32, #tpu.memory_space<hbm>>
    tpu.enqueue_indirect_dma source(%dma_start3A_157 : memref<200000x64xf32, #tpu.memory_space<hbm>>) target(%dma_start3A_151 : memref<50x64xf32, #tpu.memory_space<vmem>>) offsets(%dma_start3A_154 : memref<50xi32, #tpu.memory_space<vmem>>) semaphore(%arg7 : memref<!tpu.dma_semaphore, #tpu.memory_space<semaphore_mem>>)
    %scan3A = arith.constant 0 : i32
    %scan3A_158 = arith.constant 0 : i32
    %scan3A_159 = arith.constant 32 : i32
    %scan3A_160 = arith.addi %scan3A_158, %scan3A_159 : i32
    %scan3A_161 = arith.constant 1 : i32
    scf.for %scan3A_181 = %scan3A_158 to %scan3A_160 step %scan3A_161  : i32 {
      %rem3A = arith.constant 4 : i32
      %rem3A_182 = arith.remsi %scan3A_181, %rem3A : i32
      %dma_wait3A_183 = arith.constant 0 : i32
      %dma_wait3A_184 = arith.constant 0 : i32
      %dma_wait3A_185 = arith.constant 0 : i32
      %dma_wait3A_186 = arith.constant 0 : i32
      %dma_wait3A_187 = tpu.memref_slice %arg6[%rem3A_182, %dma_wait3A_184, %dma_wait3A_185, %dma_wait3A_186] : memref<4x4x50x64xf32, #tpu.memory_space<vmem>> -> memref<1x1x50x64xf32, #tpu.memory_space<vmem>>
      %dma_wait3A_188 = tpu.memref_squeeze %dma_wait3A_187 : memref<1x1x50x64xf32, #tpu.memory_space<vmem>> -> memref<50x64xf32, #tpu.memory_space<vmem>>
      %dma_wait3A_189 = arith.constant 0 : i32
      %dma_wait3A_190 = tpu.memref_slice %arg5[%dma_wait3A_183, %dma_wait3A_189] : memref<128x50xi32, #tpu.memory_space<vmem>> -> memref<1x50xi32, #tpu.memory_space<vmem>>
      %dma_wait3A_191 = tpu.memref_squeeze %dma_wait3A_190 : memref<1x50xi32, #tpu.memory_space<vmem>> -> memref<50xi32, #tpu.memory_space<vmem>>
      %dma_wait3A_192 = arith.constant 0 : i32
      %dma_wait3A_193 = arith.constant 0 : i32
      %dma_wait3A_194 = tpu.memref_slice %arg2[%dma_wait3A_192, %dma_wait3A_193] : memref<200000x64xf32, #tpu.memory_space<hbm>> -> memref<200000x64xf32, #tpu.memory_space<hbm>>
      tpu.wait_indirect_dma semaphore(%arg7 : memref<!tpu.dma_semaphore, #tpu.memory_space<semaphore_mem>>) src(%dma_wait3A_194 : memref<200000x64xf32, #tpu.memory_space<hbm>>) dst(%dma_wait3A_188 : memref<50x64xf32, #tpu.memory_space<vmem>>)
      %dma_wait3A_195 = arith.constant 0 : i32
      %dma_wait3A_196 = arith.constant 1 : i32
      %dma_wait3A_197 = arith.constant 0 : i32
      %dma_wait3A_198 = arith.constant 0 : i32
      %dma_wait3A_199 = tpu.memref_slice %arg6[%rem3A_182, %dma_wait3A_196, %dma_wait3A_197, %dma_wait3A_198] : memref<4x4x50x64xf32, #tpu.memory_space<vmem>> -> memref<1x1x50x64xf32, #tpu.memory_space<vmem>>
      %dma_wait3A_200 = tpu.memref_squeeze %dma_wait3A_199 : memref<1x1x50x64xf32, #tpu.memory_space<vmem>> -> memref<50x64xf32, #tpu.memory_space<vmem>>
      %dma_wait3A_201 = arith.constant 0 : i32
      %dma_wait3A_202 = tpu.memref_slice %arg5[%dma_wait3A_195, %dma_wait3A_201] : memref<128x50xi32, #tpu.memory_space<vmem>> -> memref<1x50xi32, #tpu.memory_space<vmem>>
      %dma_wait3A_203 = tpu.memref_squeeze %dma_wait3A_202 : memref<1x50xi32, #tpu.memory_space<vmem>> -> memref<50xi32, #tpu.memory_space<vmem>>
      %dma_wait3A_204 = arith.constant 0 : i32
      %dma_wait3A_205 = arith.constant 0 : i32
      %dma_wait3A_206 = tpu.memref_slice %arg2[%dma_wait3A_204, %dma_wait3A_205] : memref<200000x64xf32, #tpu.memory_space<hbm>> -> memref<200000x64xf32, #tpu.memory_space<hbm>>
      tpu.wait_indirect_dma semaphore(%arg7 : memref<!tpu.dma_semaphore, #tpu.memory_space<semaphore_mem>>) src(%dma_wait3A_206 : memref<200000x64xf32, #tpu.memory_space<hbm>>) dst(%dma_wait3A_200 : memref<50x64xf32, #tpu.memory_space<vmem>>)
      %dma_wait3A_207 = arith.constant 0 : i32
      %dma_wait3A_208 = arith.constant 2 : i32
      %dma_wait3A_209 = arith.constant 0 : i32
      %dma_wait3A_210 = arith.constant 0 : i32
      %dma_wait3A_211 = tpu.memref_slice %arg6[%rem3A_182, %dma_wait3A_208, %dma_wait3A_209, %dma_wait3A_210] : memref<4x4x50x64xf32, #tpu.memory_space<vmem>> -> memref<1x1x50x64xf32, #tpu.memory_space<vmem>>
      %dma_wait3A_212 = tpu.memref_squeeze %dma_wait3A_211 : memref<1x1x50x64xf32, #tpu.memory_space<vmem>> -> memref<50x64xf32, #tpu.memory_space<vmem>>
      %dma_wait3A_213 = arith.constant 0 : i32
      %dma_wait3A_214 = tpu.memref_slice %arg5[%dma_wait3A_207, %dma_wait3A_213] : memref<128x50xi32, #tpu.memory_space<vmem>> -> memref<1x50xi32, #tpu.memory_space<vmem>>
      %dma_wait3A_215 = tpu.memref_squeeze %dma_wait3A_214 : memref<1x50xi32, #tpu.memory_space<vmem>> -> memref<50xi32, #tpu.memory_space<vmem>>
      %dma_wait3A_216 = arith.constant 0 : i32
      %dma_wait3A_217 = arith.constant 0 : i32
      %dma_wait3A_218 = tpu.memref_slice %arg2[%dma_wait3A_216, %dma_wait3A_217] : memref<200000x64xf32, #tpu.memory_space<hbm>> -> memref<200000x64xf32, #tpu.memory_space<hbm>>
      tpu.wait_indirect_dma semaphore(%arg7 : memref<!tpu.dma_semaphore, #tpu.memory_space<semaphore_mem>>) src(%dma_wait3A_218 : memref<200000x64xf32, #tpu.memory_space<hbm>>) dst(%dma_wait3A_212 : memref<50x64xf32, #tpu.memory_space<vmem>>)
      %dma_wait3A_219 = arith.constant 0 : i32
      %dma_wait3A_220 = arith.constant 3 : i32
      %dma_wait3A_221 = arith.constant 0 : i32
      %dma_wait3A_222 = arith.constant 0 : i32
      %dma_wait3A_223 = tpu.memref_slice %arg6[%rem3A_182, %dma_wait3A_220, %dma_wait3A_221, %dma_wait3A_222] : memref<4x4x50x64xf32, #tpu.memory_space<vmem>> -> memref<1x1x50x64xf32, #tpu.memory_space<vmem>>
      %dma_wait3A_224 = tpu.memref_squeeze %dma_wait3A_223 : memref<1x1x50x64xf32, #tpu.memory_space<vmem>> -> memref<50x64xf32, #tpu.memory_space<vmem>>
      %dma_wait3A_225 = arith.constant 0 : i32
      %dma_wait3A_226 = tpu.memref_slice %arg5[%dma_wait3A_219, %dma_wait3A_225] : memref<128x50xi32, #tpu.memory_space<vmem>> -> memref<1x50xi32, #tpu.memory_space<vmem>>
      %dma_wait3A_227 = tpu.memref_squeeze %dma_wait3A_226 : memref<1x50xi32, #tpu.memory_space<vmem>> -> memref<50xi32, #tpu.memory_space<vmem>>
      %dma_wait3A_228 = arith.constant 0 : i32
      %dma_wait3A_229 = arith.constant 0 : i32
      %dma_wait3A_230 = tpu.memref_slice %arg2[%dma_wait3A_228, %dma_wait3A_229] : memref<200000x64xf32, #tpu.memory_space<hbm>> -> memref<200000x64xf32, #tpu.memory_space<hbm>>
      tpu.wait_indirect_dma semaphore(%arg7 : memref<!tpu.dma_semaphore, #tpu.memory_space<semaphore_mem>>) src(%dma_wait3A_230 : memref<200000x64xf32, #tpu.memory_space<hbm>>) dst(%dma_wait3A_224 : memref<50x64xf32, #tpu.memory_space<vmem>>)
      %ge3A = arith.constant 1 : i32
      %ge3A_231 = arith.cmpi sge, %scan3A_181, %ge3A : i32
      %convert_element_type3A = arith.extui %ge3A_231 : i1 to i32
      %cond3A = arith.constant 0 : i32
      %cond3A_232 = arith.cmpi ne, %convert_element_type3A, %cond3A : i32
      scf.if %cond3A_232 {
        %dma_wait3A_259 = arith.constant 0 : i32
        %dma_wait3A_260 = arith.constant 0 : i32
        %dma_wait3A_261 = arith.constant 0 : i32
        %dma_wait3A_262 = tpu.memref_slice %arg6[%rem3A_182, %dma_wait3A_259, %dma_wait3A_260, %dma_wait3A_261] : memref<4x4x50x64xf32, #tpu.memory_space<vmem>> -> memref<1x4x50x64xf32, #tpu.memory_space<vmem>>
        %dma_wait3A_263 = tpu.memref_squeeze %dma_wait3A_262 : memref<1x4x50x64xf32, #tpu.memory_space<vmem>> -> memref<4x50x64xf32, #tpu.memory_space<vmem>>
        %dma_wait3A_264 = arith.constant 0 : i32
        %dma_wait3A_265 = arith.constant 0 : i32
        %dma_wait3A_266 = arith.constant 0 : i32
        %dma_wait3A_267 = tpu.memref_slice %arg4[%dma_wait3A_264, %dma_wait3A_265, %dma_wait3A_266] : memref<4096x56x128xf32, #tpu.memory_space<hbm>> -> memref<4x50x64xf32, #tpu.memory_space<hbm>>
        %dma_wait3A_268 = arith.constant 0 : i32
        %dma_wait3A_269 = arith.constant 0 : i32
        %dma_wait3A_270 = arith.constant 0 : i32
        %dma_wait3A_271 = tpu.memref_slice %arg4[%dma_wait3A_268, %dma_wait3A_269, %dma_wait3A_270] : memref<4096x56x128xf32, #tpu.memory_space<hbm>> -> memref<4x50x64xf32, #tpu.memory_space<hbm>>
        %dma_wait3A_272 = arith.constant 0 : i32
        %dma_wait3A_273 = arith.constant 0 : i32
        %dma_wait3A_274 = arith.constant 0 : i32
        %dma_wait3A_275 = tpu.memref_slice %arg6[%rem3A_182, %dma_wait3A_272, %dma_wait3A_273, %dma_wait3A_274] : memref<4x4x50x64xf32, #tpu.memory_space<vmem>> -> memref<1x4x50x64xf32, #tpu.memory_space<vmem>>
        %dma_wait3A_276 = tpu.memref_squeeze %dma_wait3A_275 : memref<1x4x50x64xf32, #tpu.memory_space<vmem>> -> memref<4x50x64xf32, #tpu.memory_space<vmem>>
        tpu.wait_dma2 semaphore(%arg8 : memref<!tpu.dma_semaphore, #tpu.memory_space<semaphore_mem>>) src(%dma_wait3A_276 : memref<4x50x64xf32, #tpu.memory_space<vmem>>) dst(%dma_wait3A_271 : memref<4x50x64xf32, #tpu.memory_space<hbm>>)
      } else {
      }
      %add3A_233 = arith.constant 4 : i32
      %add3A_234 = arith.addi %scan3A_181, %add3A_233 : i32
      %sub3A = arith.constant 1 : i32
      %sub3A_235 = arith.subi %add3A_234, %sub3A : i32
      %lt3A = arith.constant 32 : i32
      %lt3A_236 = arith.cmpi slt, %sub3A_235, %lt3A : i32
      %convert_element_type3A_237 = arith.extui %lt3A_236 : i1 to i32
      %cond3A_238 = arith.constant 0 : i32
      %cond3A_239 = arith.cmpi ne, %convert_element_type3A_237, %cond3A_238 : i32
      scf.if %cond3A_239 {
        %add3A_259 = arith.constant 4 : i32
        %add3A_260 = arith.addi %scan3A_181, %add3A_259 : i32
        %sub3A_261 = arith.constant 1 : i32
        %sub3A_262 = arith.subi %add3A_260, %sub3A_261 : i32
        %add3A_263 = arith.constant 4 : i32
        %add3A_264 = arith.addi %scan3A_181, %add3A_263 : i32
        %sub3A_265 = arith.constant 1 : i32
        %sub3A_266 = arith.subi %add3A_264, %sub3A_265 : i32
        %rem3A_267 = arith.constant 4 : i32
        %rem3A_268 = arith.remsi %sub3A_266, %rem3A_267 : i32
        %mul3A_269 = arith.constant 4 : i32
        %mul3A_270 = arith.muli %sub3A_262, %mul3A_269 : i32
        %add3A_271 = arith.constant 0 : i32
        %add3A_272 = arith.addi %mul3A_270, %add3A_271 : i32
        %dma_start3A_273 = arith.constant 0 : i32
        %dma_start3A_274 = arith.constant 0 : i32
        %dma_start3A_275 = arith.constant 0 : i32
        %dma_start3A_276 = tpu.memref_slice %arg6[%rem3A_268, %dma_start3A_273, %dma_start3A_274, %dma_start3A_275] : memref<4x4x50x64xf32, #tpu.memory_space<vmem>> -> memref<1x1x50x64xf32, #tpu.memory_space<vmem>>
        %dma_start3A_277 = tpu.memref_squeeze %dma_start3A_276 : memref<1x1x50x64xf32, #tpu.memory_space<vmem>> -> memref<50x64xf32, #tpu.memory_space<vmem>>
        %dma_start3A_278 = arith.constant 0 : i32
        %dma_start3A_279 = tpu.memref_slice %arg5[%add3A_272, %dma_start3A_278] : memref<128x50xi32, #tpu.memory_space<vmem>> -> memref<1x50xi32, #tpu.memory_space<vmem>>
        %dma_start3A_280 = tpu.memref_squeeze %dma_start3A_279 : memref<1x50xi32, #tpu.memory_space<vmem>> -> memref<50xi32, #tpu.memory_space<vmem>>
        %dma_start3A_281 = arith.constant 0 : i32
        %dma_start3A_282 = arith.constant 0 : i32
        %dma_start3A_283 = tpu.memref_slice %arg2[%dma_start3A_281, %dma_start3A_282] : memref<200000x64xf32, #tpu.memory_space<hbm>> -> memref<200000x64xf32, #tpu.memory_space<hbm>>
        tpu.enqueue_indirect_dma source(%dma_start3A_283 : memref<200000x64xf32, #tpu.memory_space<hbm>>) target(%dma_start3A_277 : memref<50x64xf32, #tpu.memory_space<vmem>>) offsets(%dma_start3A_280 : memref<50xi32, #tpu.memory_space<vmem>>) semaphore(%arg7 : memref<!tpu.dma_semaphore, #tpu.memory_space<semaphore_mem>>)
        %mul3A_284 = arith.constant 4 : i32
        %mul3A_285 = arith.muli %sub3A_262, %mul3A_284 : i32
        %add3A_286 = arith.constant 1 : i32
        %add3A_287 = arith.addi %mul3A_285, %add3A_286 : i32
        %dma_start3A_288 = arith.constant 1 : i32
        %dma_start3A_289 = arith.constant 0 : i32
        %dma_start3A_290 = arith.constant 0 : i32
        %dma_start3A_291 = tpu.memref_slice %arg6[%rem3A_268, %dma_start3A_288, %dma_start3A_289, %dma_start3A_290] : memref<4x4x50x64xf32, #tpu.memory_space<vmem>> -> memref<1x1x50x64xf32, #tpu.memory_space<vmem>>
        %dma_start3A_292 = tpu.memref_squeeze %dma_start3A_291 : memref<1x1x50x64xf32, #tpu.memory_space<vmem>> -> memref<50x64xf32, #tpu.memory_space<vmem>>
        %dma_start3A_293 = arith.constant 0 : i32
        %dma_start3A_294 = tpu.memref_slice %arg5[%add3A_287, %dma_start3A_293] : memref<128x50xi32, #tpu.memory_space<vmem>> -> memref<1x50xi32, #tpu.memory_space<vmem>>
        %dma_start3A_295 = tpu.memref_squeeze %dma_start3A_294 : memref<1x50xi32, #tpu.memory_space<vmem>> -> memref<50xi32, #tpu.memory_space<vmem>>
        %dma_start3A_296 = arith.constant 0 : i32
        %dma_start3A_297 = arith.constant 0 : i32
        %dma_start3A_298 = tpu.memref_slice %arg2[%dma_start3A_296, %dma_start3A_297] : memref<200000x64xf32, #tpu.memory_space<hbm>> -> memref<200000x64xf32, #tpu.memory_space<hbm>>
        tpu.enqueue_indirect_dma source(%dma_start3A_298 : memref<200000x64xf32, #tpu.memory_space<hbm>>) target(%dma_start3A_292 : memref<50x64xf32, #tpu.memory_space<vmem>>) offsets(%dma_start3A_295 : memref<50xi32, #tpu.memory_space<vmem>>) semaphore(%arg7 : memref<!tpu.dma_semaphore, #tpu.memory_space<semaphore_mem>>)
        %mul3A_299 = arith.constant 4 : i32
        %mul3A_300 = arith.muli %sub3A_262, %mul3A_299 : i32
        %add3A_301 = arith.constant 2 : i32
        %add3A_302 = arith.addi %mul3A_300, %add3A_301 : i32
        %dma_start3A_303 = arith.constant 2 : i32
        %dma_start3A_304 = arith.constant 0 : i32
        %dma_start3A_305 = arith.constant 0 : i32
        %dma_start3A_306 = tpu.memref_slice %arg6[%rem3A_268, %dma_start3A_303, %dma_start3A_304, %dma_start3A_305] : memref<4x4x50x64xf32, #tpu.memory_space<vmem>> -> memref<1x1x50x64xf32, #tpu.memory_space<vmem>>
        %dma_start3A_307 = tpu.memref_squeeze %dma_start3A_306 : memref<1x1x50x64xf32, #tpu.memory_space<vmem>> -> memref<50x64xf32, #tpu.memory_space<vmem>>
        %dma_start3A_308 = arith.constant 0 : i32
        %dma_start3A_309 = tpu.memref_slice %arg5[%add3A_302, %dma_start3A_308] : memref<128x50xi32, #tpu.memory_space<vmem>> -> memref<1x50xi32, #tpu.memory_space<vmem>>
        %dma_start3A_310 = tpu.memref_squeeze %dma_start3A_309 : memref<1x50xi32, #tpu.memory_space<vmem>> -> memref<50xi32, #tpu.memory_space<vmem>>
        %dma_start3A_311 = arith.constant 0 : i32
        %dma_start3A_312 = arith.constant 0 : i32
        %dma_start3A_313 = tpu.memref_slice %arg2[%dma_start3A_311, %dma_start3A_312] : memref<200000x64xf32, #tpu.memory_space<hbm>> -> memref<200000x64xf32, #tpu.memory_space<hbm>>
        tpu.enqueue_indirect_dma source(%dma_start3A_313 : memref<200000x64xf32, #tpu.memory_space<hbm>>) target(%dma_start3A_307 : memref<50x64xf32, #tpu.memory_space<vmem>>) offsets(%dma_start3A_310 : memref<50xi32, #tpu.memory_space<vmem>>) semaphore(%arg7 : memref<!tpu.dma_semaphore, #tpu.memory_space<semaphore_mem>>)
        %mul3A_314 = arith.constant 4 : i32
        %mul3A_315 = arith.muli %sub3A_262, %mul3A_314 : i32
        %add3A_316 = arith.constant 3 : i32
        %add3A_317 = arith.addi %mul3A_315, %add3A_316 : i32
        %dma_start3A_318 = arith.constant 3 : i32
        %dma_start3A_319 = arith.constant 0 : i32
        %dma_start3A_320 = arith.constant 0 : i32
        %dma_start3A_321 = tpu.memref_slice %arg6[%rem3A_268, %dma_start3A_318, %dma_start3A_319, %dma_start3A_320] : memref<4x4x50x64xf32, #tpu.memory_space<vmem>> -> memref<1x1x50x64xf32, #tpu.memory_space<vmem>>
        %dma_start3A_322 = tpu.memref_squeeze %dma_start3A_321 : memref<1x1x50x64xf32, #tpu.memory_space<vmem>> -> memref<50x64xf32, #tpu.memory_space<vmem>>
        %dma_start3A_323 = arith.constant 0 : i32
        %dma_start3A_324 = tpu.memref_slice %arg5[%add3A_317, %dma_start3A_323] : memref<128x50xi32, #tpu.memory_space<vmem>> -> memref<1x50xi32, #tpu.memory_space<vmem>>
        %dma_start3A_325 = tpu.memref_squeeze %dma_start3A_324 : memref<1x50xi32, #tpu.memory_space<vmem>> -> memref<50xi32, #tpu.memory_space<vmem>>
        %dma_start3A_326 = arith.constant 0 : i32
        %dma_start3A_327 = arith.constant 0 : i32
        %dma_start3A_328 = tpu.memref_slice %arg2[%dma_start3A_326, %dma_start3A_327] : memref<200000x64xf32, #tpu.memory_space<hbm>> -> memref<200000x64xf32, #tpu.memory_space<hbm>>
        tpu.enqueue_indirect_dma source(%dma_start3A_328 : memref<200000x64xf32, #tpu.memory_space<hbm>>) target(%dma_start3A_322 : memref<50x64xf32, #tpu.memory_space<vmem>>) offsets(%dma_start3A_325 : memref<50xi32, #tpu.memory_space<vmem>>) semaphore(%arg7 : memref<!tpu.dma_semaphore, #tpu.memory_space<semaphore_mem>>)
      } else {
      }
      %mul3A_240 = arith.constant 4 : i32
      %mul3A_241 = arith.muli %scan3A_181, %mul3A_240 : i32
      %add3A_242 = arith.addi %mul3A_2, %mul3A_241 : i32
      %dma_start3A_243 = arith.constant 0 : i32
      %dma_start3A_244 = arith.constant 0 : i32
      %dma_start3A_245 = arith.constant 0 : i32
      %dma_start3A_246 = tpu.memref_slice %arg6[%rem3A_182, %dma_start3A_243, %dma_start3A_244, %dma_start3A_245] : memref<4x4x50x64xf32, #tpu.memory_space<vmem>> -> memref<1x4x50x64xf32, #tpu.memory_space<vmem>>
      %dma_start3A_247 = tpu.memref_squeeze %dma_start3A_246 : memref<1x4x50x64xf32, #tpu.memory_space<vmem>> -> memref<4x50x64xf32, #tpu.memory_space<vmem>>
      %dma_start3A_248 = arith.constant 0 : i32
      %dma_start3A_249 = arith.constant 0 : i32
      %dma_start3A_250 = tpu.memref_slice %arg4[%add3A_242, %dma_start3A_248, %dma_start3A_249] : memref<4096x56x128xf32, #tpu.memory_space<hbm>> -> memref<4x50x64xf32, #tpu.memory_space<hbm>>
      %dma_start3A_251 = arith.constant 0 : i32
      %dma_start3A_252 = arith.constant 0 : i32
      %dma_start3A_253 = tpu.memref_slice %arg4[%add3A_242, %dma_start3A_251, %dma_start3A_252] : memref<4096x56x128xf32, #tpu.memory_space<hbm>> -> memref<4x50x64xf32, #tpu.memory_space<hbm>>
      %dma_start3A_254 = arith.constant 0 : i32
      %dma_start3A_255 = arith.constant 0 : i32
      %dma_start3A_256 = arith.constant 0 : i32
      %dma_start3A_257 = tpu.memref_slice %arg6[%rem3A_182, %dma_start3A_254, %dma_start3A_255, %dma_start3A_256] : memref<4x4x50x64xf32, #tpu.memory_space<vmem>> -> memref<1x4x50x64xf32, #tpu.memory_space<vmem>>
      %dma_start3A_258 = tpu.memref_squeeze %dma_start3A_257 : memref<1x4x50x64xf32, #tpu.memory_space<vmem>> -> memref<4x50x64xf32, #tpu.memory_space<vmem>>
      tpu.enqueue_dma source(%dma_start3A_258 : memref<4x50x64xf32, #tpu.memory_space<vmem>>) target(%dma_start3A_253 : memref<4x50x64xf32, #tpu.memory_space<hbm>>) target_semaphore(%arg8 : memref<!tpu.dma_semaphore, #tpu.memory_space<semaphore_mem>>)
    }
    %scan3A_162 = arith.constant 32 : i32
    %dma_wait3A = arith.constant 0 : i32
    %dma_wait3A_163 = arith.constant 0 : i32
    %dma_wait3A_164 = arith.constant 0 : i32
    %dma_wait3A_165 = arith.constant 0 : i32
    %dma_wait3A_166 = tpu.memref_slice %arg6[%dma_wait3A, %dma_wait3A_163, %dma_wait3A_164, %dma_wait3A_165] : memref<4x4x50x64xf32, #tpu.memory_space<vmem>> -> memref<1x4x50x64xf32, #tpu.memory_space<vmem>>
    %dma_wait3A_167 = tpu.memref_squeeze %dma_wait3A_166 : memref<1x4x50x64xf32, #tpu.memory_space<vmem>> -> memref<4x50x64xf32, #tpu.memory_space<vmem>>
    %dma_wait3A_168 = arith.constant 0 : i32
    %dma_wait3A_169 = arith.constant 0 : i32
    %dma_wait3A_170 = arith.constant 0 : i32
    %dma_wait3A_171 = tpu.memref_slice %arg4[%dma_wait3A_168, %dma_wait3A_169, %dma_wait3A_170] : memref<4096x56x128xf32, #tpu.memory_space<hbm>> -> memref<4x50x64xf32, #tpu.memory_space<hbm>>
    %dma_wait3A_172 = arith.constant 0 : i32
    %dma_wait3A_173 = arith.constant 0 : i32
    %dma_wait3A_174 = arith.constant 0 : i32
    %dma_wait3A_175 = tpu.memref_slice %arg4[%dma_wait3A_172, %dma_wait3A_173, %dma_wait3A_174] : memref<4096x56x128xf32, #tpu.memory_space<hbm>> -> memref<4x50x64xf32, #tpu.memory_space<hbm>>
    %dma_wait3A_176 = arith.constant 0 : i32
    %dma_wait3A_177 = arith.constant 0 : i32
    %dma_wait3A_178 = arith.constant 0 : i32
    %dma_wait3A_179 = tpu.memref_slice %arg6[%dma_wait3A, %dma_wait3A_176, %dma_wait3A_177, %dma_wait3A_178] : memref<4x4x50x64xf32, #tpu.memory_space<vmem>> -> memref<1x4x50x64xf32, #tpu.memory_space<vmem>>
    %dma_wait3A_180 = tpu.memref_squeeze %dma_wait3A_179 : memref<1x4x50x64xf32, #tpu.memory_space<vmem>> -> memref<4x50x64xf32, #tpu.memory_space<vmem>>
    tpu.wait_dma2 semaphore(%arg8 : memref<!tpu.dma_semaphore, #tpu.memory_space<semaphore_mem>>) src(%dma_wait3A_180 : memref<4x50x64xf32, #tpu.memory_space<vmem>>) dst(%dma_wait3A_175 : memref<4x50x64xf32, #tpu.memory_space<hbm>>)
    return
  }
}

</mosaic_0001>

<sc_bundles>
// kernel: kernel.3.cloned.1.call-start
scs
__scs_entry_jumppad:
0x0: {  	(pc) =	sbr.rel $0x88, $3  }
0x1: {  	(tag) =	ssettag $0x0;
	lr =	simm.s32 $0x1  }
0x2: {  	[smem:$0x3F9F] =	sst lr;
	_ =	strace $0xD0000000  }
0x3: {  	_ = 	snop  }
0x4: {  	_ = 	snop  }
0x5: {  	_ = 	snop  }
0x6: {  	_ = 	snop  }
0x7: {  	_ = 	snop  }
__scs_overlays_trampoline_lowered:
0x8: {  	[smem:$0x3FAE] =	sst s0  }
0x9: {  	[smem:$0x3FAF] =	sst s1  }
0xa: {  	[smem:$0x3FB0] =	sst s2  }
0xb: {  	[smem:$0x3FB1] =	sst s3  }
0xc: {  	[smem:$0x3FB2] =	sst s4  }
0xd: {  	[smem:$0x3FB3] =	sst s5  }
0xe: {  	[smem:$0x3FB4] =	sst s6  }
0xf: {  	[smem:$0x3FB5] =	sst s7  }
0x10: {  	[smem:$0x3FB6] =	sst s8  }
0x11: {  	[smem:$0x3FB7] =	sst s9;
	s0 =	simm.s32 @!p0 $0x0  }
0x12: {  	s1 =	sld [smem:$0x3F9D];
	s0 =	simm.s32 @p0 $0x1  }
0x13: {  	[smem:$0x3FB8] =	sst s0;
	s0 =	simm.s32 @!p1 $0x0  }
0x14: {  	s2 =	sld [smem:$0x3F9C];
	s0 =	simm.s32 @p1 $0x1  }
0x15: {  	[smem:$0x3FB9] =	sst s0;
	s0 =	simm.s32 @!p2 $0x0  }
0x16: {  	s3 =	sld [smem:$0x3FDB];
	s0 =	simm.s32 @p2 $0x1  }
0x17: {  	s4 =	simm.s32 $0x1BF5;
	[smem:$0x3FBB] =	sst s0  }
0x18: {  	s0 =	sld [smem:$0x3F9E];
	_ =	swait.ge [sflag:s4], $0x0  }
0x19: {  	s7 =	sld [smem:$0x3F9F]  }
0x1a: {  	s8 =	sadd.s32 $0xFFFFE003, lr  }
0x1b: {  	s9 =	sadd.s32 $0xFFFFFEF7, lr;
	s5 =	simm.s32 $0xFFFFFFFF;
	p2 =	slt.u32 s8, $0xFFFFF086  }
0x1c: {  	p1 =	slt.u32 s9, $0xF7A;
	s5 =	simm.s32 @!p2 $0x0  }
0x1d: {  	s5 =	simm.s32 @p1 $0x1;
	p0 =	seq.s32 s7, s2  }
0x1e: {  	s7 =	smul.u32 @!p0 $0xF7A, s2;
	p2 =	seq.s32 @!p0 s5, $0x0  }
0x1f: {  	s9 =	smul.u32 $0xF7A, s1;
	s8 =	simm.s32 @!p0 $0x1BF5;
	p2 =	por !p2, p0  }
0x20: {  	[sflag:s8] =	ssyncset.s32 @!p0 $0xFFFFF086;
	s6 =	sadd.s32 @!p0 s3, s7;
	s7 =	simm.s32 @!p0 $0x108  }
0x21: {  	s3 =	sadd.s32 s3, s9;
	s6 =	sadd.s32 @!p0 $0x88, s6;
	s7 =	simm.s32 @p2 $0x1082  }
0x22: {  	[simem:s7], [sflag:s8] =	dma.local @!p0 [hbm:s6], $0xF7A  }
0x23: {  	s9 =	sor.u32 $0xD0000000, s2;
	s6 =	simm.s32 $0x108;
	_ =	swait.ge @!p0 [sflag:s8], $0x0  }
0x24: {  	s3 =	sadd.s32 $0x88, s3;
	s6 =	simm.s32 @!p1 $0x1082;
	[sflag:s4] =	ssyncset.s32 $0xFFFFF086  }
0x25: {  	[simem:s6], [sflag:s4] =	dma.local [hbm:s3], $0xF7A  }
0x26: {  	[smem:$0x3F9F] =	sst s1;
	(tag) =	ssettag s2;
	_ =	strace s9  }
0x27: {  	s1 =	sld [smem:$0x3FAF]  }
0x28: {  	s2 =	sld [smem:$0x3FB0]  }
0x29: {  	s4 =	sld [smem:$0x3FB2]  }
0x2a: {  	p0 =	seq.s32 s5, $0x0;
	s5 =	sld [smem:$0x3FB3]  }
0x2b: {  	s6 =	sld [smem:$0x3FB4]  }
0x2c: {  	s7 =	sld [smem:$0x3FB5]  }
0x2d: {  	s3 =	simm.s32 $0x108;
	s8 =	sld [smem:$0x3FB6]  }
0x2e: {  	s3 =	simm.s32 @!p0 $0x1082;
	s9 =	sld [smem:$0x3FB7]  }
0x2f: {  	lr =	sadd.s32 s0, s3;
	s0 =	sld [smem:$0x3FAE]  }
0x30: {  	s3 =	sld [smem:$0x3FB1]  }
0x31: {  	[smem:$0x3FBA] =	sst s10  }
0x32: {  	s10 =	sld [smem:$0x3FB8];
	_ =	sdelay $0x3  }
0x33: {  	p0 =	seq.s32 s10, $0x1;
	s10 =	sld [smem:$0x3FBA];
	_ =	sdelay $0x3  }
0x34: {  	[smem:$0x3FBA] =	sst s10  }
0x35: {  	s10 =	sld [smem:$0x3FB9];
	_ =	sdelay $0x3  }
0x36: {  	p1 =	seq.s32 s10, $0x1;
	s10 =	sld [smem:$0x3FBA];
	_ =	sdelay $0x3  }
0x37: {  	[smem:$0x3FBA] =	sst s10  }
0x38: {  	s10 =	sld [smem:$0x3FBB]  }
0x39: {  	_ = 	snop;
	(pc) =	sbr.ind lr, $3  }
0x3a: {  	_ = 	snop  }
0x3b: {  	_ = 	snop  }
0x3c: {  	p2 =	seq.s32 s10, $0x1;
	s10 =	sld [smem:$0x3FBA]  }
0x3d: {  	_ =	shalt  }
0x3e: {  	_ =	shalt  }
0x3f: {  	_ =	shalt  }
0x40: {  	_ =	shalt  }
0x41: {  	_ =	shalt  }
0x42: {  	_ =	shalt  }
0x43: {  	_ =	shalt  }
0x44: {  	_ =	shalt  }
0x45: {  	_ =	shalt  }
0x46: {  	_ =	shalt  }
0x47: {  	_ =	shalt  }
0x48: {  	_ =	shalt  }
0x49: {  	_ =	shalt  }
0x4a: {  	_ =	shalt  }
0x4b: {  	_ =	shalt  }
0x4c: {  	_ =	shalt  }
0x4d: {  	_ =	shalt  }
0x4e: {  	_ =	shalt  }
0x4f: {  	_ =	shalt  }
0x50: {  	_ =	shalt  }
0x51: {  	_ =	shalt  }
0x52: {  	_ =	shalt  }
0x53: {  	_ =	shalt  }
0x54: {  	_ =	shalt  }
0x55: {  	_ =	shalt  }
0x56: {  	_ =	shalt  }
0x57: {  	_ =	shalt  }
0x58: {  	_ =	shalt  }
0x59: {  	_ =	shalt  }
0x5a: {  	_ =	shalt  }
0x5b: {  	_ =	shalt  }
0x5c: {  	_ =	shalt  }
0x5d: {  	_ =	shalt  }
0x5e: {  	_ =	shalt  }
0x5f: {  	_ =	shalt  }
0x60: {  	_ =	shalt  }
0x61: {  	_ =	shalt  }
0x62: {  	_ =	shalt  }
0x63: {  	_ =	shalt  }
0x64: {  	_ =	shalt  }
0x65: {  	_ =	shalt  }
0x66: {  	_ =	shalt  }
0x67: {  	_ =	shalt  }
0x68: {  	_ =	shalt  }
0x69: {  	_ =	shalt  }
0x6a: {  	_ =	shalt  }
0x6b: {  	_ =	shalt  }
0x6c: {  	_ =	shalt  }
0x6d: {  	_ =	shalt  }
0x6e: {  	_ =	shalt  }
0x6f: {  	_ =	shalt  }
0x70: {  	_ =	shalt  }
0x71: {  	_ =	shalt  }
0x72: {  	_ =	shalt  }
0x73: {  	_ =	shalt  }
0x74: {  	_ =	shalt  }
0x75: {  	_ =	shalt  }
0x76: {  	_ =	shalt  }
0x77: {  	_ =	shalt  }
0x78: {  	_ =	shalt  }
0x79: {  	_ =	shalt  }
0x7a: {  	_ =	shalt  }
0x7b: {  	_ =	shalt  }
0x7c: {  	_ =	shalt  }
0x7d: {  	_ =	shalt  }
0x7e: {  	_ =	shalt  }
0x7f: {  	_ =	shalt  }
0x80: {  	_ =	shalt  }
0x81: {  	_ =	shalt  }
0x82: {  	_ =	shalt  }
0x83: {  	_ =	shalt  }
0x84: {  	_ =	shalt  }
0x85: {  	_ =	shalt  }
0x86: {  	_ =	shalt  }
0x87: {  	_ =	shalt  }
.Lfunc_end0:
.L_simem_size_0:
called_computation.1_lowered:
.L_overlay_start_0:
0x88: {  	s2 =	sld [smem:$0x3FD9]  }
0x89: {  	s3 =	sld [smem:$0x3FFE];
	_ =	sdelay $0x1  }
0x8a: {  	s1 =	srdreg.scid  }
0x8b: {  	s0 =	sand.u32 $0x1, s1  }
0x8c: {  	s16 =	sshll.u32 s0, $0xA;
	s2 =	sadd.s32 s3, s2  }
0x8d: {  	s2 =	sadd.s32 s2, s16  }
0x8e: {  	[smem:$0x3FC6] =	sst s2  }
0x8f: {  	_ = 	snop  }
0x90: {  	(tm) =	ssettm $0x1  }
0x91: {  	s17 =	sld [smem:$0x3FFB];
	_ =	sdelay $0x3  }
0x92: {  	_ =	strace s17  }
0x93: {  	s2 =	sld [smem:$0x3FFC];
	_ =	sdelay $0x3  }
0x94: {  	_ =	strace s2  }
0x95: {  	s2 =	sld [smem:$0x3FFD];
	_ =	sdelay $0x3  }
0x96: {  	_ =	strace s2  }
0x97: {  	_ =	strace $0x8FFFFFFF  }
0x98: {  	s18 =	sld [smem:$0x3FDB];
	_ =	sdelay $0x1  }
0x99: {  	s19 =	simm.s32 $_scs_section_size  }
0x9a: {  	s4 =	simm.s32 $_size__tile_overlayer_lowered;
	s5 =	simm.s32 $_tile_overlayer_lowered  }
0x9b: {  	s22 =	simm.s32 $0x1BFF;
	s21 =	sshll.u32 s5, $0x1;
	s2 =	sadd.s32 s19, s18  }
0x9c: {  	s6 =	simm.s32 $0x0;
	s20 =	sshll.u32 s4, $0x1;
	s4 =	sadd.s32 s21, s2  }
0x9d: {  	[timem:s6], [sflag:s22] =	dma.local [hbm:s4], s20  }
0x9e: {  	_ =	swait.ge [sflag:s22], s20  }
0x9f: {  	s3 =	ssub.s32 $0x0, s20;
	[sflag:s22] =	ssyncset.done $0x0  }
0xa0: {  	[sflag:s22] =	ssyncadd.s32 s3;
	_ =	sdelay $0x1  }
0xa1: {  	s23 =	simm.s32 $0x1B8B  }
0xa2: {  	_ =	swait.ge [sflag:s23], $0x1  }
0xa3: {  	[sflag:s23] =	ssyncset.done $0x0  }
0xa4: {  	s25 =	simm.s32 $0x1B8E;
	s24 =	sld [smem:$0x3FFE];
	[sflag:s23] =	ssyncadd.s32 $0xFFFFFFFF  }
0xa5: {  	s26 =	simm.s32 $execute0_lowered;
	[smem:$0x3FD2] =	sst s25  }
0xa6: {  	s4 =	sshll.u32 s26, $0x1;
	_ =	strace $0x80000046;
	[dreg:$0x1] =	wrdreg $0xFFFFFFFF  }
0xa7: {  	s28 =	simm.s32 $_size_execute0_lowered;
	s2 =	sadd.s32 s2, s4;
	[dreg:$0x0] =	wrdreg $0x0  }
0xa8: {  	s4 =	sshll.u32 s28, $0x1;
	[dreg:$0x2] =	wrdreg s2  }
0xa9: {  	[dreg:$0x3] =	wrdreg s4  }
0xaa: {  	[dreg:$0x4] =	wrdreg $0xC0  }
0xab: {  	_ =	task [dreg:s6], $0x5FFFF  }
0xac: {  	[dreg:$0x1] =	wrdreg $0xFFFFFFFF  }
0xad: {  	[dreg:$0x0] =	wrdreg $0x60  }
0xae: {  	[dreg:$0x2] =	wrdreg s24  }
0xaf: {  	[dreg:$0x3] =	wrdreg $0x9  }
0xb0: {  	_ =	task.clear_ibuf [dreg:s6], $0x4FFFF;
	_ =	strace $0x90000046  }
0xb1: {  	s29 =	simm.s32 $0x9;
	_ =	strace $0x80000048  }
0xb2: {  	_ =	swait.ge [sflag:s29], $0x1  }
0xb3: {  	[sflag:s29] =	ssyncadd.s32 $0xFFFFFFFF  }
0xb4: {  	_ =	strace $0x90000048  }
0xb5: {  	_ =	sfence  }
0xb6: {  	s30 =	sld [smem:$0x0];
	_ =	sdelay $0x2  }
0xb7: {  	s31 =	sshll.u32 s1, $0xD;
	s1 =	sshrl.u32 s1, $0x2  }
0xb8: {  	s3 =	sand.u32 $0x4000, s31;
	s1 =	sadd.s32 s1, s30  }
0xb9: {  	s0 =	sor.u32 s3, s0;
	s1 =	sshll.u32 s1, $0x11  }
0xba: {  	s0 =	sor.u32 s1, s0  }
0xbb: {  	s0 =	sadd.s32 $0x8F2B, s0  }
0xbc: {  	[sflag:s0] =	ssyncadd.remote.s32 $0x1  }
0xbd: {  	_ =	sfence.sel $0xFFFF  }
0xbe: {  	[dreg:$0x0] =	wrdreg $0xFFFFFFFF;
	(pc) =	sbr.abs _section_cstart, $3  }
0xbf: {  	[dreg:$0x1] =	wrdreg $0xFFFFFFFF  }
0xc0: {  	_ =	task.clear_ibuf [dreg:s6], $0x2FFFF;
	_ =	strace $0x9FFFFFFF  }
0xc1: {  	(tm) =	ssettm $0x7FFFFFFF  }
tec
execute0_lowered:
.L_overlay_start_1:
0x0: {  	(tag) =	ssettag $0x1  }
0x1: {  	s0 =	srdreg.scid  }
0x2: {  	s7 =	stileid.u32;
	s1 =	rddreg [dreg:$0x0]  }
0x3: {  	s2 =	simm.s32 $0x0;
	s9 =	simm.s32 $0x32;
	s10 =	simm.s32 $0x1C00  }
0x4: {  	s12 =	simm.s32 $0x2880;
	s14 =	simm.s32 $0x3500;
	s16 =	simm.s32 $0x4180  }
0x5: {  	s11 =	simm.s32 $0x1;
	s21 =	simm.s32 $0x348;
	s22 =	simm.s32 $0xD780  }
0x6: {  	s23 =	simm.s32 $0x40;
	s24 =	simm.s32 $0x80;
	s0 =	sand.u32 $0x1, s0  }
0x7: {  	s25 =	simm.s32 $0x2;
	s3 =	sshll.u32 s7, $0x8;
	s4 =	sshll.u32 s0, $0x7  }
0x8: {  	[smem:$0x7FF] =	sst s2;
	s7 =	smul.u32 $0x38000, s7;
	s4 =	sor.u32 s4, s3  }
0x9: {  	s26 =	simm.s32 $0x0;
	_ =	strace $0x80000047;
	s5 =	smul.u32 $0x7, s4  }
0xa: {  	s31 =	ssub.s32 $0x2, s0;
	s0 =	smul.u32 $0x1C000, s0;
	s3 =	sadd.s32 $0x7800, s1  }
0xb: {  	s8 =	sshrl.u32 s31, $0x1;
	s30 =	sadd.s32 s5, s1;
	s1 =	sadd.s32 $0x18E200, s1  }
0xc: {  	s6 =	smul.u32 $0x380, s4;
	s5 =	ssub.s32 s31, s8;
	s7 =	sadd.s32 s7, s1  }
0xd: {  	s8 =	simm.s32 $0x3;
	s4 =	sadd.s32 $0x800, s30;
	s0 =	sadd.s32 s0, s7  }
0xe: {  	s5 =	smax.u32 s5, $0x1;
	s6 =	sadd.s32 s1, s6;
	s7 =	sadd.s32 $0xE00, s0  }
.LBB2_1:
0xf: {  	[tilespmem:s2], [sflag:$0x3] =	stream.linear.gather [hbm4b:s4+s2], $0x1C00, $0x38;
	[tilespmem:$0xE400] =	vst v63  }
0x10: {  	_ =	swait.ge [sflag:s8], $0x1C00  }
0x11: {  	[sflag:s8] =	ssyncset.done $0x0  }
0x12: {  	[sflag:s8] =	ssyncadd.s32 $0xFFFFE400  }
0x13: {  	[tilespmem:s10], [sflag:$0x1] =	stream.indirect.gather [hbm4b:s3+s9], $0x40, s2, s9, $0xb8;
	[tilespmem:$0xE400] =	vst v63  }
0x14: {  	s0 =	simm.s32 $0x38  }
0x15: {  	[tilespmem:s12], [sflag:$0x1] =	stream.indirect.gather [hbm4b:s3+s9], $0x40, s0, s9, $0xb8;
	[tilespmem:$0xE400] =	vst v63  }
0x16: {  	s15 =	simm.s32 $0x70  }
0x17: {  	[tilespmem:s14], [sflag:$0x1] =	stream.indirect.gather [hbm4b:s3+s9], $0x40, s15, s9, $0xb8;
	[tilespmem:$0xE400] =	vst v63  }
0x18: {  	s17 =	simm.s32 $0xA8  }
0x19: {  	[tilespmem:s16], [sflag:$0x1] =	stream.indirect.gather [hbm4b:s3+s9], $0x40, s17, s9, $0xb8;
	[tilespmem:$0xE400] =	vst v63  }
0x1a: {  	s18 =	simm.s32 $0xE0;
	s1 =	simm.s32 $0x4E00  }
0x1b: {  	[tilespmem:s1], [sflag:$0x1] =	stream.indirect.gather [hbm4b:s3+s9], $0x40, s18, s9, $0xb8;
	[tilespmem:$0xE400] =	vst v63  }
0x1c: {  	s19 =	simm.s32 $0x118;
	s20 =	simm.s32 $0x5A80  }
0x1d: {  	[tilespmem:s20], [sflag:$0x1] =	stream.indirect.gather [hbm4b:s3+s9], $0x40, s19, s9, $0xb8;
	[tilespmem:$0xE400] =	vst v63  }
0x1e: {  	s13 =	simm.s32 $0x150;
	s15 =	simm.s32 $0x6700  }
0x1f: {  	[tilespmem:s15], [sflag:$0x1] =	stream.indirect.gather [hbm4b:s3+s9], $0x40, s13, s9, $0xb8;
	[tilespmem:$0xE400] =	vst v63  }
0x20: {  	s17 =	simm.s32 $0x188;
	s18 =	simm.s32 $0x7380  }
0x21: {  	[tilespmem:s18], [sflag:$0x1] =	stream.indirect.gather [hbm4b:s3+s9], $0x40, s17, s9, $0xb8;
	[tilespmem:$0xE400] =	vst v63  }
0x22: {  	s19 =	simm.s32 $0x1C0;
	s20 =	simm.s32 $0x8000  }
0x23: {  	[tilespmem:s20], [sflag:$0x1] =	stream.indirect.gather [hbm4b:s3+s9], $0x40, s19, s9, $0xb8;
	[tilespmem:$0xE400] =	vst v63  }
0x24: {  	s13 =	simm.s32 $0x1F8;
	s15 =	simm.s32 $0x8C80  }
0x25: {  	[tilespmem:s15], [sflag:$0x1] =	stream.indirect.gather [hbm4b:s3+s9], $0x40, s13, s9, $0xb8;
	[tilespmem:$0xE400] =	vst v63  }
0x26: {  	s17 =	simm.s32 $0x230;
	s18 =	simm.s32 $0x9900  }
0x27: {  	[tilespmem:s18], [sflag:$0x1] =	stream.indirect.gather [hbm4b:s3+s9], $0x40, s17, s9, $0xb8;
	[tilespmem:$0xE400] =	vst v63  }
0x28: {  	s19 =	simm.s32 $0x268;
	s20 =	simm.s32 $0xA580  }
0x29: {  	[tilespmem:s20], [sflag:$0x1] =	stream.indirect.gather [hbm4b:s3+s9], $0x40, s19, s9, $0xb8;
	[tilespmem:$0xE400] =	vst v63  }
0x2a: {  	_ =	swait.ge [sflag:s11], $0xC80  }
0x2b: {  	[sflag:s11] =	ssyncset.done $0x0  }
0x2c: {  	[sflag:s11] =	ssyncadd.s32 $0xFFFFF380  }
0x2d: {  	_ =	swait.ge [sflag:s11], $0xC80  }
0x2e: {  	[sflag:s11] =	ssyncset.done $0x0  }
0x2f: {  	[sflag:s11] =	ssyncadd.s32 $0xFFFFF380  }
0x30: {  	_ =	swait.ge [sflag:s11], $0xC80  }
0x31: {  	[sflag:s11] =	ssyncset.done $0x0  }
0x32: {  	[sflag:s11] =	ssyncadd.s32 $0xFFFFF380  }
0x33: {  	_ =	swait.ge [sflag:s11], $0xC80  }
0x34: {  	[sflag:s11] =	ssyncset.done $0x0  }
0x35: {  	s13 =	simm.s32 $0x2A0;
	s15 =	simm.s32 $0xB200;
	[sflag:s11] =	ssyncadd.s32 $0xFFFFF380  }
0x36: {  	[tilespmem:s15], [sflag:$0x1] =	stream.indirect.gather [hbm4b:s3+s9], $0x40, s13, s9, $0xb8;
	[tilespmem:$0xE400] =	vst v63  }
0x37: {  	s17 =	simm.s32 $0x2D8;
	s18 =	simm.s32 $0xBE80  }
0x38: {  	[tilespmem:s18], [sflag:$0x1] =	stream.indirect.gather [hbm4b:s3+s9], $0x40, s17, s9, $0xb8;
	[tilespmem:$0xE400] =	vst v63  }
0x39: {  	s19 =	simm.s32 $0x310;
	s20 =	simm.s32 $0xCB00  }
0x3a: {  	[tilespmem:s20], [sflag:$0x1] =	stream.indirect.gather [hbm4b:s3+s9], $0x40, s19, s9, $0xb8;
	[tilespmem:$0xE400] =	vst v63  }
0x3b: {  	_ = 	snop  }
0x3c: {  	[tilespmem:s22], [sflag:$0x1] =	stream.indirect.gather [hbm4b:s3+s9], $0x40, s21, s9, $0xb8;
	[tilespmem:$0xE400] =	vst v63  }
0x3d: {  	_ = 	snop  }
0x3e: {  	[hbm4b:s6+s23] =	stream.strided.scatter [tilespmem:s10], [sflag:$0x2], $0xC80, s24, s23, $0x38;
	[tilespmem:$0xE400] =	vst v63  }
0x3f: {  	s13 =	sadd.s32 $0x380, s6  }
0x40: {  	[hbm4b:s13+s23] =	stream.strided.scatter [tilespmem:s12], [sflag:$0x2], $0xC80, s24, s23, $0x38;
	[tilespmem:$0xE400] =	vst v63  }
0x41: {  	s15 =	sadd.s32 $0x700, s6  }
0x42: {  	[hbm4b:s15+s23] =	stream.strided.scatter [tilespmem:s14], [sflag:$0x2], $0xC80, s24, s23, $0x38;
	[tilespmem:$0xE400] =	vst v63  }
0x43: {  	s17 =	sadd.s32 $0xA80, s6  }
0x44: {  	[hbm4b:s17+s23] =	stream.strided.scatter [tilespmem:s16], [sflag:$0x2], $0xC80, s24, s23, $0x38;
	[tilespmem:$0xE400] =	vst v63  }
0x45: {  	_ =	swait.ge [sflag:s11], $0xC80  }
0x46: {  	[sflag:s11] =	ssyncset.done $0x0  }
0x47: {  	[sflag:s11] =	ssyncadd.s32 $0xFFFFF380  }
0x48: {  	_ =	swait.ge [sflag:s11], $0xC80  }
0x49: {  	[sflag:s11] =	ssyncset.done $0x0  }
0x4a: {  	[sflag:s11] =	ssyncadd.s32 $0xFFFFF380  }
0x4b: {  	_ =	swait.ge [sflag:s11], $0xC80  }
0x4c: {  	[sflag:s11] =	ssyncset.done $0x0  }
0x4d: {  	[sflag:s11] =	ssyncadd.s32 $0xFFFFF380  }
0x4e: {  	p0 =	por $0x0, $0x0;
	s1 =	simm.s32 $0x4;
	_ =	swait.ge [sflag:s11], $0xC80  }
0x4f: {  	s1 =	sand.u32 @!p0 $0x3, s1;
	[sflag:s11] =	ssyncset.done $0x0  }
0x50: {  	s1 =	smul.u32 @!p0 $0xC800, s1;
	[sflag:s11] =	ssyncadd.s32 $0xFFFFF380  }
0x51: {  	s28 =	simm.s32 $0x1;
	_ =	swait.ge [sflag:s25], $0x3200  }
0x52: {  	s29 =	simm.s32 @!p0 $0x380;
	s1 =	sshrl.u32 @!p0 s1, $0x2;
	[sflag:s25] =	ssyncset.done $0x0  }
0x53: {  	s30 =	simm.s32 @!p0 $0x32;
	s31 =	sadd.s32 @!p0 $0x1C00, s1;
	[sflag:s25] =	ssyncadd.s32 $0xFFFFCE00  }
0x54: {  	[tilespmem:s31], [sflag:$0x1] =	stream.indirect.gather @!p0 [hbm4b:s3+s30], $0x40, s29, s30, $0xb8;
	[tilespmem:$0xE400] =	vst v63  }
0x55: {  	s28 =	sand.u32 $0x3, s28;
	s29 =	simm.s32 @!p0 $0x3B8;
	s31 =	sadd.s32 @!p0 $0x2880, s1  }
0x56: {  	[tilespmem:s31], [sflag:$0x1] =	stream.indirect.gather @!p0 [hbm4b:s3+s30], $0x40, s29, s30, $0xb8;
	[tilespmem:$0xE400] =	vst v63  }
0x57: {  	s28 =	smul.u32 $0xC800, s28;
	s29 =	simm.s32 @!p0 $0x3F0;
	s31 =	sadd.s32 @!p0 $0x3500, s1  }
0x58: {  	[tilespmem:s31], [sflag:$0x1] =	stream.indirect.gather @!p0 [hbm4b:s3+s30], $0x40, s29, s30, $0xb8;
	[tilespmem:$0xE400] =	vst v63  }
0x59: {  	s1 =	sadd.s32 @!p0 $0x4180, s1;
	s29 =	simm.s32 @!p0 $0x428;
	s31 =	sshrl.u32 s28, $0x2  }
0x5a: {  	[tilespmem:s1], [sflag:$0x1] =	stream.indirect.gather @!p0 [hbm4b:s3+s30], $0x40, s29, s30, $0xb8;
	[tilespmem:$0xE400] =	vst v63  }
0x5b: {  	s18 =	sadd.s32 $0x1C00, s31  }
0x5c: {  	[hbm4b:s7+s23] =	stream.strided.scatter [tilespmem:s18], [sflag:$0x2], $0xC80, s24, s23, $0x38;
	[tilespmem:$0xE400] =	vst v63  }
0x5d: {  	s28 =	sadd.s32 $0x380, s7;
	s19 =	sadd.s32 $0x2880, s31;
	s20 =	sadd.s32 $0x3500, s31  }
0x5e: {  	[hbm4b:s28+s23] =	stream.strided.scatter [tilespmem:s19], [sflag:$0x2], $0xC80, s24, s23, $0x38;
	[tilespmem:$0xE400] =	vst v63  }
0x5f: {  	s31 =	sadd.s32 $0x4180, s31;
	s29 =	simm.s32 $0x5;
	s28 =	sadd.s32 $0x700, s7  }
0x60: {  	[hbm4b:s28+s23] =	stream.strided.scatter [tilespmem:s20], [sflag:$0x2], $0xC80, s24, s23, $0x38;
	[tilespmem:$0xE400] =	vst v63  }
0x61: {  	s1 =	sadd.s32 $0xA80, s7;
	s30 =	sadd.s32 $0xE00, s7;
	s28 =	simm.s32 $0x380  }
.LBB2_2:
0x62: {  	[hbm4b:s1+s23] =	stream.strided.scatter [tilespmem:s31], [sflag:$0x2], $0xC80, s24, s23, $0x38;
	[tilespmem:$0xE400] =	vst v63  }
0x63: {  	s1 =	smov.u32 s28;
	s28 =	sadd.s32 $0x380, s28;
	_ =	swait.ge [sflag:s11], $0xC80  }
0x64: {  	p0 =	sne.s32 s28, $0x6C80;
	[sflag:s11] =	ssyncset.done $0x0  }
0x65: {  	[sflag:s11] =	ssyncadd.s32 $0xFFFFF380  }
0x66: {  	_ =	swait.ge [sflag:s11], $0xC80  }
0x67: {  	[sflag:s11] =	ssyncset.done $0x0  }
0x68: {  	[sflag:s11] =	ssyncadd.s32 $0xFFFFF380  }
0x69: {  	_ =	swait.ge [sflag:s11], $0xC80  }
0x6a: {  	[sflag:s11] =	ssyncset.done $0x0  }
0x6b: {  	s31 =	sadd.s32 $0xFFFFFFFD, s29;
	[sflag:s11] =	ssyncadd.s32 $0xFFFFF380  }
0x6c: {  	s0 =	sand.u32 $0x3, s31;
	p1 =	sgt.u32 s31, $0x1C;
	_ =	swait.ge [sflag:s11], $0xC80  }
0x6d: {  	s31 =	sand.u32 @!p1 $0x3, s29;
	s1 =	sshra.s32 @!p1 s1, $0x2;
	[sflag:s11] =	ssyncset.done $0x0  }
0x6e: {  	s31 =	smul.u32 @!p1 $0xC800, s31;
	s13 =	sadd.s32 @!p1 $0x380, s1;
	[sflag:s11] =	ssyncadd.s32 $0xFFFFF380  }
0x6f: {  	s15 =	sadd.s32 @!p1 $0x3B8, s1;
	s17 =	sadd.s32 @!p1 $0x3F0, s1;
	_ =	swait.ge [sflag:s25], $0x3200  }
0x70: {  	s18 =	simm.s32 @!p1 $0x32;
	s31 =	sshrl.u32 @!p1 s31, $0x2;
	[sflag:s25] =	ssyncset.done $0x0  }
0x71: {  	s19 =	sadd.s32 @!p1 $0x1C00, s31;
	s20 =	sadd.s32 @!p1 $0x2880, s31;
	[sflag:s25] =	ssyncadd.s32 $0xFFFFCE00  }
0x72: {  	[tilespmem:s19], [sflag:$0x1] =	stream.indirect.gather @!p1 [hbm4b:s3+s18], $0x40, s13, s18, $0xb8;
	[tilespmem:$0xE400] =	vst v63  }
0x73: {  	s0 =	smul.u32 $0xC800, s0;
	s13 =	sadd.s32 @!p1 $0x3500, s31;
	s19 =	sadd.s32 @!p1 $0x4180, s31  }
0x74: {  	[tilespmem:s20], [sflag:$0x1] =	stream.indirect.gather @!p1 [hbm4b:s3+s18], $0x40, s15, s18, $0xb8;
	[tilespmem:$0xE400] =	vst v63  }
0x75: {  	s1 =	sadd.s32 @!p1 $0x428, s1;
	s0 =	sshrl.u32 s0, $0x2  }
0x76: {  	[tilespmem:s13], [sflag:$0x1] =	stream.indirect.gather @!p1 [hbm4b:s3+s18], $0x40, s17, s18, $0xb8;
	[tilespmem:$0xE400] =	vst v63  }
0x77: {  	_ = 	snop  }
0x78: {  	[tilespmem:s19], [sflag:$0x1] =	stream.indirect.gather @!p1 [hbm4b:s3+s18], $0x40, s1, s18, $0xb8;
	[tilespmem:$0xE400] =	vst v63  }
0x79: {  	s1 =	sadd.s32 $0x1C00, s0  }
0x7a: {  	[hbm4b:s30+s23] =	stream.strided.scatter [tilespmem:s1], [sflag:$0x2], $0xC80, s24, s23, $0x38;
	[tilespmem:$0xE400] =	vst v63  }
.Ltmp0:
0x7b: {  	s13 =	sadd.s32 $0x380, s30;
	s1 =	sadd.s32 $0x2880, s0;
	(pc) =	sbr.rel @p0 .LBB2_2-.Ltmp0, $4  }
0x7c: {  	[hbm4b:s13+s23] =	stream.strided.scatter [tilespmem:s1], [sflag:$0x2], $0xC80, s24, s23, $0x38;
	[tilespmem:$0xE400] =	vst v63  }
0x7d: {  	s29 =	sadd.s32 $0x1, s29;
	s1 =	sadd.s32 $0x3500, s0;
	s13 =	sadd.s32 $0x700, s30  }
0x7e: {  	[hbm4b:s13+s23] =	stream.strided.scatter [tilespmem:s1], [sflag:$0x2], $0xC80, s24, s23, $0x38;
	[tilespmem:$0xE400] =	vst v63  }
0x7f: {  	s31 =	sadd.s32 $0x4180, s0;
	s1 =	sadd.s32 $0xA80, s30;
	s30 =	sadd.s32 $0xE00, s30  }
0x80: {  	s26 =	sadd.s32 $0x1, s26  }
0x81: {  	p0 =	sne.s32 s26, s5  }
.Ltmp1:
0x82: {  	_ = 	snop;
	(pc) =	sbr.rel @p0 .LBB2_1-.Ltmp1, $4  }
0x83: {  	[hbm4b:s1+s23] =	stream.strided.scatter [tilespmem:s31], [sflag:$0x2], $0xC80, s24, s23, $0x38;
	[tilespmem:$0xE400] =	vst v63  }
0x84: {  	_ =	swait.ge [sflag:s25], $0x3200  }
0x85: {  	[sflag:s25] =	ssyncset.done $0x0  }
0x86: {  	[sflag:s25] =	ssyncadd.s32 $0xFFFFCE00  }
0x87: {  	_ =	sfence.sel $0x180000  }
0x88: {  	[bflag:$0x0] =	sbarrier.arrive $0xFFFF  }
0x89: {  	_ =	strace $0x90000047  }
0x8a: {  	s0 =	stileid.u32;
	[bflag:$0x2] =	sbarrier.arrive $0xFFFF  }
0x8b: {  	p0 =	sne.s32 s0, $0x0;
	s0 =	rddreg [dreg:$0x1]  }
0x8c: {  	s0 =	sadd.s32 @!p0 $0x100000, s0  }
0x8d: {  	[sflag:s0] =	ssyncadd.tile.s32 @!p0 $0x1;
	_ =	shalt  }
.Lfunc_end2:
_tile_overlayer_lowered:
.L_overlay_start_2:
0x8e: {  	(tag) =	ssettag $0x2  }
0x8f: {  	s0 =	rddreg [dreg:$0x0];
	s2 =	stileid.u32  }
0x90: {  	s1 =	rddreg [dreg:$0x1];
	p0 =	sne.s32 s2, $0x0  }
0x91: {  	s3 =	rddreg [dreg:$0x2];
	[bflag:$0x3] =	sbarrier.arrive $0xFFFF;
	s2 =	simm.s32 @!p0 $0x1C03  }
0x92: {  	[timem:s3], [sflag:s2] =	dma.local @!p0 [hbm:s0], s1  }
0x93: {  	s0 =	simm.s32 @!p0 $0x3  }
0x94: {  	_ =	swait.ge @!p0 [sflag:s0], s1  }
0x95: {  	s1 =	ssub.s32 @!p0 $0x0, s1;
	[sflag:s0] =	ssyncset.done @!p0 $0x0  }
0x96: {  	[sflag:s0] =	ssyncadd.s32 @!p0 s1  }
0x97: {  	[bflag:$0x3] =	sbarrier.arrive $0xFFFF  }
0x98: {  	_ =	shalt  }

// kernel: sparse-core-data-format-call.cloned.1.call-start
scs
called_computation_lowered:
.L_overlay_start_0:
0x0: {  	s2 =	sld [smem:$0x3FD9]  }
0x1: {  	s3 =	sld [smem:$0x3FFE];
	_ =	sdelay $0x1  }
0x2: {  	s1 =	srdreg.scid  }
0x3: {  	s0 =	sand.u32 $0x1, s1  }
0x4: {  	s18 =	sshll.u32 s0, $0xA;
	s2 =	sadd.s32 s3, s2  }
0x5: {  	s2 =	sadd.s32 s2, s18  }
0x6: {  	[smem:$0x3FC6] =	sst s2  }
0x7: {  	_ = 	snop  }
0x8: {  	s2 =	sld [smem:$0x3FD0];
	(tm) =	ssettm $0x1  }
0x9: {  	s19 =	sld [smem:$0x3FFB];
	_ =	sdelay $0x3  }
0xa: {  	_ =	strace s19  }
0xb: {  	s3 =	sld [smem:$0x3FFC];
	_ =	sdelay $0x3  }
0xc: {  	_ =	strace s3  }
0xd: {  	s3 =	sld [smem:$0x3FFD];
	_ =	sdelay $0x3  }
0xe: {  	_ =	strace s3  }
0xf: {  	_ =	strace $0x8FFFFFFF  }
0x10: {  	s20 =	sld [smem:$0x3FDB];
	_ =	sdelay $0x1  }
0x11: {  	s4 =	simm.s32 $_scs_section_size  }
0x12: {  	s5 =	simm.s32 $_size__tile_overlayer_lowered;
	s6 =	simm.s32 $_tile_overlayer_lowered  }
0x13: {  	s23 =	simm.s32 $0x1BFF;
	s22 =	sshll.u32 s6, $0x1;
	s3 =	sadd.s32 s4, s20  }
0x14: {  	s7 =	simm.s32 $0x0;
	s21 =	sshll.u32 s5, $0x1;
	s5 =	sadd.s32 s22, s3  }
0x15: {  	[timem:s7], [sflag:s23] =	dma.local [hbm:s5], s21  }
0x16: {  	_ =	swait.ge [sflag:s23], s21  }
0x17: {  	s4 =	ssub.s32 $0x0, s21;
	[sflag:s23] =	ssyncset.done $0x0  }
0x18: {  	[sflag:s23] =	ssyncadd.s32 s4;
	_ =	sdelay $0x1  }
0x19: {  	s24 =	simm.s32 $0x1B8B  }
0x1a: {  	_ =	swait.ge [sflag:s24], $0x1  }
0x1b: {  	[sflag:s24] =	ssyncset.done $0x0  }
0x1c: {  	s26 =	simm.s32 $0x1B8E;
	s25 =	sld [smem:$0x3FFE];
	[sflag:s24] =	ssyncadd.s32 $0xFFFFFFFF  }
0x1d: {  	s27 =	simm.s32 $execute0_lowered;
	[smem:$0x3FD2] =	sst s26  }
0x1e: {  	s5 =	sshll.u32 s27, $0x1;
	_ =	strace $0x80000049;
	[dreg:$0x1] =	wrdreg $0xFFFFFFFF  }
0x1f: {  	s28 =	simm.s32 $_size_execute0_lowered;
	s3 =	sadd.s32 s3, s5;
	[dreg:$0x0] =	wrdreg $0x0  }
0x20: {  	s5 =	sshll.u32 s28, $0x1;
	[dreg:$0x2] =	wrdreg s3  }
0x21: {  	[dreg:$0x3] =	wrdreg s5  }
0x22: {  	[dreg:$0x4] =	wrdreg $0xC0  }
0x23: {  	_ =	task [dreg:s7], $0x5FFFF  }
0x24: {  	[dreg:$0x1] =	wrdreg $0xFFFFFFFF  }
0x25: {  	[dreg:$0x0] =	wrdreg $0x60  }
0x26: {  	[dreg:$0x2] =	wrdreg s25  }
0x27: {  	[dreg:$0x3] =	wrdreg s2  }
0x28: {  	[dreg:$0x4] =	wrdreg $0x9  }
0x29: {  	_ =	task.clear_ibuf [dreg:s7], $0x5FFFF;
	_ =	strace $0x90000049  }
0x2a: {  	s29 =	simm.s32 $0x9;
	_ =	strace $0x8000004B  }
0x2b: {  	_ =	swait.ge [sflag:s29], $0x1  }
0x2c: {  	[sflag:s29] =	ssyncadd.s32 $0xFFFFFFFF  }
0x2d: {  	_ =	strace $0x9000004B  }
0x2e: {  	_ =	sfence  }
0x2f: {  	s30 =	sld [smem:$0x0];
	_ =	sdelay $0x2  }
0x30: {  	s31 =	sshll.u32 s1, $0xD;
	s1 =	sshrl.u32 s1, $0x2  }
0x31: {  	s3 =	sand.u32 $0x4000, s31;
	s1 =	sadd.s32 s1, s30  }
0x32: {  	s0 =	sor.u32 s3, s0;
	s1 =	sshll.u32 s1, $0x11  }
0x33: {  	s0 =	sor.u32 s1, s0  }
0x34: {  	s0 =	sadd.s32 $0x8F2B, s0  }
0x35: {  	[sflag:s0] =	ssyncadd.remote.s32 $0x1  }
0x36: {  	_ =	sfence.sel $0xFFFF  }
0x37: {  	[dreg:$0x0] =	wrdreg $0xFFFFFFFF;
	(pc) =	sbr.abs _section_cstart, $3  }
0x38: {  	[dreg:$0x1] =	wrdreg $0xFFFFFFFF  }
0x39: {  	_ =	task.clear_ibuf [dreg:s7], $0x2FFFF;
	_ =	strace $0x9FFFFFFF  }
0x3a: {  	(tm) =	ssettm $0x7FFFFFFF  }
0x3b: {  	_ =	shalt  }
tec
execute0_lowered:
.L_overlay_start_1:
0x0: {  	(tag) =	ssettag $0x1  }
0x1: {  	s0 =	srdreg.scid  }
0x2: {  	s1 =	sshll.u32 s0, $0x4  }
0x3: {  	s0 =	stileid.u32;
	s1 =	sand.u32 $0x10, s1  }
0x4: {  	s1 =	sor.u32 s0, s1  }
0x5: {  	s6 =	rddreg [dreg:$0x0];
	s4 =	simm.s32 $0x1;
	s2 =	sshll.u32 s1, $0x7  }
0x6: {  	s7 =	simm.s32 $0x2;
	s12 =	simm.s32 $0x0;
	s1 =	ssub.s32 $0x1000, s2  }
0x7: {  	s8 =	simm.s32 $0x8000;
	s13 =	simm.s32 $0x0;
	s3 =	sand.u32 $0xF80, s1  }
0x8: {  	s9 =	simm.s32 $0x0;
	s5 =	sshrl.u32 s1, $0xC;
	p0 =	sne.s32 s3, $0x0  }
.Ltmp0:
0x9: {  	s1 =	rddreg [dreg:$0x2];
	s4 =	simm.s32 @!p0 $0x0;
	(pc) =	sbr.rel .LBB1_1-.Ltmp0, $4  }
0xa: {  	s11 =	simm.s32 $0x0;
	s3 =	rddreg [dreg:$0x1];
	s5 =	sadd.s32 s4, s5  }
0xb: {  	_ =	strace $0x8000004A;
	s4 =	simm.s32 $0x1;
	s5 =	smul.u32 $0x32, s5  }
0xc: {  	s6 =	sadd.s32 $0x18E200, s6;
	s10 =	smov.u32 s2;
	[sflag:s4] =	ssyncpa.u1 $0x0  }
0xd: {  	p0 =	por $0x0, $0x0;
	[sflag:s7] =	ssyncpa.u1 $0x0;
	s7 =	sor.u32 $0x1, s5  }
.LBB1_4:
0xe: {  	s16 =	sshll.u32 s13, $0x3;
	s17 =	sand.u32 $0x78, s13  }
0xf: {  	s30 =	sand.u32 $0x7E00, s13;
	s12 =	sshll.u32 s12, $0xF;
	s16 =	sand.u32 $0xC00, s16  }
0x10: {  	[tilespmem:s15+$0x810 ss:$0x81] =	vst.msk $0xffff, v2;
	s31 =	sand.u32 $0x7, s13;
	s16 =	sor.u32 s17, s16;
	s17 =	sadd.s32 s3, s30  }
0x11: {  	[tilespmem:s15+$0x1020 ss:$0x81] =	vst.msk $0xffff, v0;
	s13 =	sshll.u32 s31, $0x12;
	s12 =	sadd.s32 s12, s17;
	s16 =	sshrl.u32 s16, $0x3  }
0x12: {  	[tilespmem:s15+$0x0 ss:$0x81] =	vst.msk $0xffff, v1;
	s13 =	sor.u32 $0x400, s13;
	s12 =	sadd.s32 s16, s12  }
0x13: {  	[hbm4b:s12+s13] =	stream.strided.scatter [tilespmem:s14], [sflag:$0x2], $0x2000, s8, s13, $0x20;
	[tilespmem:$0x8080] =	vst v63  }
.LBB1_5:
0x14: {  	s14 =	sadd.s32 $0x1, s9  }
0x15: {  	s12 =	sadd.s32 $0x1000, s10;
	s16 =	smov.u32 s10;
	p2 =	sgt.s32 s14, $0x31  }
0x16: {  	s16 =	smov.u32 @p2 s12  }
0x17: {  	s14 =	simm.s32 @p2 $0x0;
	p2 =	sgt.s32 s16, $0xFFF  }
0x18: {  	s16 =	smov.u32 @p2 s2;
	p2 =	sne.s32 s11, s7  }
.Ltmp1:
0x19: {  	p1 =	slt.u32 s11, $0x2;
	(pc) =	sbr.rel @!p2 .LBB1_6-.Ltmp1, $4  }
0x1a: {  	s15 =	simm.s32 @!p1 $0x2  }
0x1b: {  	s13 =	smov.u32 s10;
	p0 =	por !p0, !p0;
	_ =	swait.ge @!p1 [sflag:s15], $0x2000  }
0x1c: {  	s12 =	smov.u32 s9;
	[sflag:s15] =	ssyncset.done @!p1 $0x0;
	s9 =	smov.u32 s14  }
0x1d: {  	s11 =	sadd.s32 $0x1, s11;
	[sflag:s15] =	ssyncadd.s32 @!p1 $0xFFFFE000;
	s10 =	smov.u32 s16  }
.LBB1_1:
0x1e: {  	p1 =	sge.u32 s11, s5  }
0x1f: {  	s14 =	sand.u32 @!p1 $0x1FFFFFF, s9  }
0x20: {  	s15 =	smulhi.u32 @!p1 $0x4924925, s14;
	_ =	sdelay $0x1  }
0x21: {  	s15 =	smul.u32 @!p1 $0x38, s15  }
0x22: {  	s16 =	sxor.u32 @!p1 $0xFFFFFFFF, s11;
	s17 =	smul.u32 @!p1 $0x380, s10  }
0x23: {  	s31 =	sadd.s32 $0xFFFFFFFF, s11;
	s16 =	sshll.u32 @!p1 s16, $0xD;
	s14 =	ssub.s32 @!p1 s14, s15  }
0x24: {  	s15 =	sand.u32 @!p1 $0x2000, s16;
	s16 =	sadd.s32 @!p1 s6, s17;
	s14 =	sshll.u32 @!p1 s14, $0x4  }
0x25: {  	s17 =	simm.s32 @!p1 $0x1C00;
	s14 =	sadd.s32 @!p1 s14, s16;
	s16 =	simm.s32 @!p1 $0x40  }
0x26: {  	[tilespmem:s15], [sflag:$0x1] =	stream.strided.gather @!p1 [hbm4b:s14+s16], $0x2000, s17, s16, $0x38;
	[tilespmem:$0x8080] =	vst v63  }
0x27: {  	p1 =	sge.u32 s31, s5  }
.Ltmp2:
0x28: {  	_ = 	snop;
	(pc) =	sbr.rel @p1 .LBB1_5-.Ltmp2, $1  }
0x29: {  	_ =	sdelay $0x3  }
0x2a: {  	s14 =	simm.s32 $0x1  }
0x2b: {  	_ =	swait.ge [sflag:s4], $0x2000;
	s14 =	simm.s32 @!p0 $0x0  }
0x2c: {  	[sflag:s4] =	ssyncset.done $0x0;
	s15 =	sshll.u32 s14, $0xD  }
0x2d: {  	[sflag:s4] =	ssyncadd.s32 $0xFFFFE000;
	s18 =	sor.u32 $0x20, s15  }
0x2e: {  	s14 =	smul.u32 $0x8100, s14;
	v3 =	vld [tilespmem:s18+$0x10]  }
0x2f: {  	s30 =	sand.u32 $0x1, s11;
	v2 =	vld [tilespmem:s18+$0xFFFFFFF0]  }
0x30: {  	s15 =	smul.u32 $0x8100, s30;
	s14 =	sshrl.u32 s14, $0x2;
	v0 =	vld [tilespmem:s18+$0x0]  }
0x31: {  	v1 =	vld [tilespmem:s18+$0xFFFFFFE0];
	s16 =	sor.u32 $0x4000, s14  }
0x32: {  	s31 =	sshrl.u32 s15, $0x2;
	s15 =	sadd.s32 $0x0, s16  }
0x33: {  	s17 =	simm.s32 $0x4;
	s18 =	sadd.s32 $0x40, s18;
	s14 =	sor.u32 $0x4000, s31;
	[tilespmem:s15+$0x1830 ss:$0x81] =	vst.msk $0xffff, v3  }
.LBB1_3:
0x34: {  	v3 =	vld [tilespmem:s18+$0x10];
	p1 =	sne.s32 s17, $0x1FC;
	[tilespmem:s15+$0x810 ss:$0x81] =	vst.msk $0xffff, v2;
	s19 =	smov.u32 s17;
	s17 =	sadd.s32 $0x4, s17  }
.Ltmp3:
0x35: {  	v2 =	vld [tilespmem:s18+$0xFFFFFFF0];
	[tilespmem:s15+$0x1020 ss:$0x81] =	vst.msk $0xffff, v0;
	(pc) =	sbr.rel @p1 .LBB1_3-.Ltmp3, $4  }
0x36: {  	v0 =	vld [tilespmem:s18+$0x0];
	[tilespmem:s15+$0x0 ss:$0x81] =	vst.msk $0xffff, v1  }
0x37: {  	s15 =	sshra.s32 s19, $0x2;
	v1 =	vld [tilespmem:s18+$0xFFFFFFE0]  }
0x38: {  	s15 =	sadd.s32 s15, s16  }
0x39: {  	s18 =	sadd.s32 $0x40, s18;
	[tilespmem:s15+$0x1830 ss:$0x81] =	vst.msk $0xffff, v3  }
.Ltmp4:
0x3a: {  	_ = 	snop;
	(pc) =	sbr.rel .LBB1_4-.Ltmp4, $1  }
0x3b: {  	_ =	sdelay $0x3  }
.LBB1_6:
0x3c: {  	_ =	sfence.sel $0x180000  }
0x3d: {  	s2 =	simm.s32 $0x1;
	[bflag:$0x0] =	sbarrier.arrive $0xFFFF  }
0x3e: {  	s31 =	simm.s32 $0x2;
	[sflag:s2] =	ssyncpa.u1 $0x1  }
0x3f: {  	[sflag:s31] =	ssyncpa.u1 $0x1  }
0x40: {  	p0 =	sne.s32 s0, $0x0;
	_ =	strace $0x9000004A  }
0x41: {  	s0 =	sadd.s32 @!p0 $0x100000, s1;
	[bflag:$0x2] =	sbarrier.arrive $0xFFFF  }
0x42: {  	[sflag:s0] =	ssyncadd.tile.s32 @!p0 $0x1;
	_ =	shalt  }
.Lfunc_end1:
_tile_overlayer_lowered:
.L_overlay_start_2:
0x43: {  	(tag) =	ssettag $0x2  }
0x44: {  	s0 =	rddreg [dreg:$0x0];
	s2 =	stileid.u32  }
0x45: {  	s1 =	rddreg [dreg:$0x1];
	p0 =	sne.s32 s2, $0x0  }
0x46: {  	s3 =	rddreg [dreg:$0x2];
	[bflag:$0x3] =	sbarrier.arrive $0xFFFF;
	s2 =	simm.s32 @!p0 $0x1C01  }
0x47: {  	[timem:s3], [sflag:s2] =	dma.local @!p0 [hbm:s0], s1  }
0x48: {  	s0 =	simm.s32 @!p0 $0x1  }
0x49: {  	_ =	swait.ge @!p0 [sflag:s0], s1  }
0x4a: {  	s1 =	ssub.s32 @!p0 $0x0, s1;
	[sflag:s0] =	ssyncset.done @!p0 $0x0  }
0x4b: {  	[sflag:s0] =	ssyncadd.s32 @!p0 s1  }
0x4c: {  	[bflag:$0x3] =	sbarrier.arrive $0xFFFF  }
0x4d: {  	_ =	shalt  }

</sc_bundles>
